<compile_context>
chip_gen: v7x
topology: tpu7x:2x2x1
jax: 0.10.2.dev20260603
libtpu: 0.0.44.dev20260713+nightly
codegen_flags: <defaults>
</compile_context>

<pallas_src>
import functools

import jax
import jax.numpy as jnp
from jax import lax
from jax.experimental import pallas as pl
from jax.experimental.pallas import tpu as pltpu, tpu_sc as plsc

_B = 16384
_C = 1024
_BIT = 64
_BLK = 1024
_NB = _B // _BLK
_Q = _BLK // 4
_NCHUNK = _BIT // 16
_PAD = 128

_INFO = plsc.get_sparse_core_info()
_NC, _NS = _INFO.num_cores, _INFO.num_subcores
_NW = _NC * _NS
_SPW = _B // _NW
_GW = 256
_ROWS_PT = _C // _NS


@functools.lru_cache(maxsize=None)
def _rnd_pm1():
    r = jax.random.randint(jax.random.key(1), (_B, _BIT), 0, 2)
    return r.astype(jnp.float32) * 2.0 - 1.0



def _argmax_body(y1, y2, y3, y4, out_ref):
    iota_c = jax.lax.broadcasted_iota(jnp.int32, (_Q, _C), 1)
    parts = []
    for y_ref in (y1, y2, y3, y4):
        vals = y_ref[...]
        m = jnp.max(vals, axis=1, keepdims=True)
        parts.append(jnp.min(jnp.where(vals == m, iota_c, _C), axis=1))
    out_ref[...] = jnp.concatenate(parts)[None, None, :]


def _tc_labels(y):
    out = pl.pallas_call(
        _argmax_body,
        grid=(_NB,),
        in_specs=[
            pl.BlockSpec((_Q, _C), lambda i: (4 * i, 0)),
            pl.BlockSpec((_Q, _C), lambda i: (4 * i + 1, 0)),
            pl.BlockSpec((_Q, _C), lambda i: (4 * i + 2, 0)),
            pl.BlockSpec((_Q, _C), lambda i: (4 * i + 3, 0)),
        ],
        out_specs=pl.BlockSpec((1, 1, _BLK), lambda i: (i, 0, 0)),
        out_shape=jax.ShapeDtypeStruct((_NB, 1, _BLK), jnp.int32),
    )(y, y, y, y)
    return out.reshape(_B)



def _sc_scatter(labels, h, codebook):
    mesh = plsc.VectorSubcoreMesh(core_axis_name="c", subcore_axis_name="s")

    @functools.partial(
        pl.kernel,
        mesh=mesh,
        out_type=(jax.ShapeDtypeStruct((_C, _PAD), jnp.float32),
                  jax.ShapeDtypeStruct((_C, _PAD), jnp.float32)),
        scratch_types=[
            pltpu.VMEM((_GW,), jnp.int32),
            pltpu.VMEM((_GW, _BIT), jnp.float32),
            pltpu.VMEM((_GW, _PAD), jnp.float32),
            pltpu.VMEM((_ROWS_PT, _PAD), jnp.float32),
            pltpu.VMEM((_ROWS_PT, _BIT), jnp.float32),
            pltpu.VMEM_SHARED((_C, _PAD), jnp.float32),
        ],
    )
    def k(lab_hbm, h_hbm, cb_hbm, d0_hbm, d1_hbm,
          lab_v, h_v, sgn_v, row_v, cb_v, table):
        cid = lax.axis_index("c")
        sid = lax.axis_index("s")
        wid = sid * _NC + cid
        base = wid * _SPW

        zero = jnp.zeros((16,), jnp.float32)
        one = jnp.full((16,), 1.0, jnp.float32)
        seed = cid == 0

        pltpu.sync_copy(cb_hbm.at[pl.ds(sid * _ROWS_PT, _ROWS_PT), :], cb_v)

        def zrow(r, carry):
            for c in range(_NCHUNK):
                sl = pl.ds(c * 16, 16)
                row_v[r, sl] = jnp.where(seed, cb_v[r, sl], zero)
            for c in range(_NCHUNK, _PAD // 16):
                row_v[r, pl.ds(c * 16, 16)] = zero
            return carry

        lax.fori_loop(0, _ROWS_PT, zrow, 0)
        pltpu.sync_copy(row_v, table.at[pl.ds(sid * _ROWS_PT, _ROWS_PT), :])

        def zpad(r, carry):
            for c in range(_NCHUNK, _PAD // 16):
                sgn_v[r, pl.ds(c * 16, 16)] = zero
            return carry

        lax.fori_loop(0, _GW, zpad, 0)
        plsc.subcore_barrier()

        for w in range(_SPW // _GW):
            wbase = base + w * _GW
            pltpu.sync_copy(lab_hbm.at[pl.ds(wbase, _GW)], lab_v)
            pltpu.sync_copy(h_hbm.at[pl.ds(wbase, _GW), :], h_v)

            def srow(r, carry):
                for c in range(_NCHUNK):
                    v = h_v[r, pl.ds(c * 16, 16)]
                    s = jnp.where(v > 0.0, one,
                                  jnp.where(v < 0.0, -one, zero))
                    sgn_v[r, pl.ds(c * 16, 16)] = s
                return carry

            lax.fori_loop(0, _GW, srow, 0)
            pltpu.sync_copy(sgn_v, table.at[lab_v], add=True)

        plsc.subcore_barrier()

        rows = pl.ds(sid * _ROWS_PT, _ROWS_PT)

        @pl.when(cid == 0)
        def _():
            pltpu.sync_copy(table.at[rows, :], d0_hbm.at[rows, :])

        @pl.when(cid == 1)
        def _():
            pltpu.sync_copy(table.at[rows, :], d1_hbm.at[rows, :])

    return k(labels, h, codebook)



def _sc_gather_loss(labels, h, rnd, d0, d1):
    gw = 128
    mesh = plsc.VectorSubcoreMesh(core_axis_name="c", subcore_axis_name="s")

    @functools.partial(
        pl.kernel,
        mesh=mesh,
        out_type=jax.ShapeDtypeStruct((_NW, 16), jnp.float32),
        scratch_types=[
            pltpu.VMEM((gw,), jnp.int32),
            pltpu.VMEM((gw, _PAD), jnp.float32),
            pltpu.VMEM((gw, _PAD), jnp.float32),
            pltpu.VMEM((gw, _BIT), jnp.float32),
            pltpu.VMEM((gw, _BIT), jnp.float32),
            pltpu.VMEM((16,), jnp.float32),
            pltpu.SemaphoreType.DMA,
            pltpu.SemaphoreType.DMA,
            pltpu.SemaphoreType.DMA,
            pltpu.SemaphoreType.DMA,
        ],
    )
    def k(lab_hbm, h_hbm, rnd_hbm, d0_hbm, d1_hbm, out_hbm,
          lab_v, t0_v, t1_v, h_v, rnd_v, acc_v, sem, sem2, sem3, sem4):
        cid = lax.axis_index("c")
        sid = lax.axis_index("s")
        wid = sid * _NC + cid
        base = wid * _SPW

        one = jnp.full((16,), 1.0, jnp.float32)
        acc_v[pl.ds(0, 16)] = jnp.zeros((16,), jnp.float32)

        for w in range(_SPW // gw):
            wbase = base + w * gw
            pltpu.sync_copy(lab_hbm.at[pl.ds(wbase, gw)], lab_v)
            cp_h = pltpu.async_copy(h_hbm.at[pl.ds(wbase, gw), :], h_v, sem2)
            cp_r = pltpu.async_copy(rnd_hbm.at[pl.ds(wbase, gw), :], rnd_v, sem3)
            cp0 = pltpu.async_copy(d0_hbm.at[lab_v], t0_v, sem)
            cp1 = pltpu.async_copy(d1_hbm.at[lab_v], t1_v, sem4)
            cp_h.wait()
            cp_r.wait()
            cp0.wait()
            cp1.wait()

            def lrow(r, acc):
                for c in range(_NCHUNK):
                    sl = pl.ds(c * 16, 16)
                    t = t0_v[r, sl] + t1_v[r, sl]
                    s = jnp.where(t > 0.0, one,
                                  jnp.where(t < 0.0, -one, rnd_v[r, sl]))
                    d = h_v[r, sl] - s
                    acc = acc + d * d
                return acc

            acc = lax.fori_loop(0, gw, lrow, acc_v[pl.ds(0, 16)])
            acc_v[pl.ds(0, 16)] = acc

        pltpu.sync_copy(acc_v, out_hbm.at[wid])

    return k(labels, h, rnd, d0, d1)


def kernel(h, y, codebook, alpha):
    rnd = _rnd_pm1()
    labels = _tc_labels(y)
    d0, d1 = _sc_scatter(labels, h, codebook)
    partials = _sc_gather_loss(labels, h, rnd, d0, d1)
    return jnp.sum(partials) * 0.5 * alpha

# --- scband reference (transcript-rebuilt; emitter-appended) ---
"""Pipeline reference for scband-center-loss-19490561589687 (READ-ONLY COPY).

The authoritative reference and input builder live on the scoring server;
editing this copy changes nothing except your own understanding.
"""

import jax, jax.numpy as jnp
import numpy as np

B = 16384
N_CLASS = 1024
BIT = 64


def _sign_with_random_zeros(t, key):
    rnd = jax.random.randint(key, t.shape, 0, 2).astype(t.dtype) * 2.0 - 1.0
    return jnp.where(t > 0, jnp.ones_like(t), jnp.where(t < 0, -jnp.ones_like(t), rnd))


def setup_inputs(seed: int = 0) -> dict:
    key = jax.random.key(seed)
    k1, k2, k3 = jax.random.split(key, 3)
    h = jax.random.normal(k1, (B, BIT), dtype=jnp.float32)
    y = jax.random.uniform(k2, (B, N_CLASS), dtype=jnp.float32)
    # codebook init: bernoulli(0.5) * 2 - 1, then sign
    prob = jnp.ones((N_CLASS, BIT)) * 0.5
    cb = jax.random.bernoulli(k3, 0.5, (N_CLASS, BIT)).astype(jnp.float32) * 2.0 - 1.0
    cb = jnp.sign(cb)
    return {"h": h, "y": y, "codebook": cb, "alpha": 1}


def reference(h, y, codebook, alpha):
    # per-sample in-place codebook update: codebook[y[i].argmax()] += h[i].sign()
    labels = jnp.argmax(y, axis=1)
    h_sign = jax.lax.stop_gradient(jnp.sign(h))
    cb_updated = codebook.at[labels].add(h_sign)
    # label2center: gather centers for each sample label (after full update loop)
    target_code = jnp.take(cb_updated, labels, axis=0)
    # sign_with_random_zeros
    target_code = _sign_with_random_zeros(target_code, jax.random.key(1))
    target_code = jax.lax.stop_gradient(target_code)
    distance_squared = (h - target_code) ** 2
    euclidean_distance_sum = distance_squared.sum(axis=1)
    center_loss = euclidean_distance_sum.sum() / 2.0
    return center_loss * alpha

if __name__ == "__main__":
    import jax
    _d = setup_inputs()
    print(jax.jit(kernel)(*tuple(_d.values())))

</pallas_src>

<mosaic_0001>
#map = affine_map<(d0, d1) -> (0)>
#map1 = affine_map<(d0, d1) -> (0, 0)>
module attributes {stable_mosaic.version = 14 : i64} {
  func.func @k(%arg0: i32, %arg1: i32, %arg2: memref<16384xi32, #tpu.memory_space<hbm>>, %arg3: memref<16384x64xf32, #tpu.memory_space<hbm>>, %arg4: memref<16384x64xf32, #tpu.memory_space<hbm>>, %arg5: memref<1024x128xf32, #tpu.memory_space<hbm>>, %arg6: memref<1024x128xf32, #tpu.memory_space<hbm>>, %arg7: memref<32x16xf32, #tpu.memory_space<hbm>>, %arg8: memref<128xi32, #tpu.memory_space<vmem>>, %arg9: memref<128x128xf32, #tpu.memory_space<vmem>>, %arg10: memref<128x128xf32, #tpu.memory_space<vmem>>, %arg11: memref<128x64xf32, #tpu.memory_space<vmem>>, %arg12: memref<128x64xf32, #tpu.memory_space<vmem>>, %arg13: memref<16xf32, #tpu.memory_space<vmem>>, %arg14: memref<!tpu.dma_semaphore, #tpu.memory_space<semaphore_mem>>, %arg15: memref<!tpu.dma_semaphore, #tpu.memory_space<semaphore_mem>>, %arg16: memref<!tpu.dma_semaphore, #tpu.memory_space<semaphore_mem>>, %arg17: memref<!tpu.dma_semaphore, #tpu.memory_space<semaphore_mem>>) attributes {dimension_semantics = [#tpu.dimension_semantics<core_parallel>, #tpu.dimension_semantics<subcore_parallel>], iteration_bounds = array<i64: 2, 16>, scalar_prefetch = 0 : i64, scratch_operands = 10 : i64, tpu.core_type = #tpu.core_type<sc_vector_subcore>, window_params = [{transform_indices = #map}, {transform_indices = #map1}, {transform_indices = #map1}, {transform_indices = #map1}, {transform_indices = #map1}, {transform_indices = #map1}]} {
    %mul3A = arith.constant 2 : i32
    %mul3A_0 = arith.muli %arg1, %mul3A : i32
    %add3A = arith.addi %mul3A_0, %arg0 : i32
    %mul3A_1 = arith.constant 512 : i32
    %mul3A_2 = arith.muli %add3A, %mul3A_1 : i32
    %broadcast_in_dim3A = arith.constant 1.000000e+00 : f32
    %broadcast_in_dim3A_3 = vector.broadcast %broadcast_in_dim3A : f32 to vector<16xf32>
    %broadcast_in_dim3A_4 = arith.constant 0.000000e+00 : f32
    %broadcast_in_dim3A_5 = vector.broadcast %broadcast_in_dim3A_4 : f32 to vector<16xf32>
    %swap3A = arith.constant 0 : index
    %swap3A_6 = tpu.vector_load %arg13[%swap3A] {strides = array<i32>} : memref<16xf32, #tpu.memory_space<vmem>>, vector<16xf32>,
    %swap3A_7 = vector.shape_cast %swap3A_6 : vector<16xf32> to vector<16xf32>
    %swap3A_8 = vector.shape_cast %broadcast_in_dim3A_5 : vector<16xf32> to vector<16xf32>
    tpu.vector_store %arg13[%swap3A], %swap3A_8 {strides = array<i32>} : memref<16xf32, #tpu.memory_space<vmem>>, vector<16xf32>,
    %add3A_9 = arith.constant 0 : i32
    %add3A_10 = arith.addi %mul3A_2, %add3A_9 : i32
    "tpu.region"() ({
      %run_scoped3A = tpu.sem_alloc : memref<!tpu.dma_semaphore, #tpu.memory_space<semaphore_mem>>
      %dma_start3A_177 = tpu.memref_slice %arg2[%add3A_10] : memref<16384xi32, #tpu.memory_space<hbm>> -> memref<128xi32, #tpu.memory_space<hbm>>
      %dma_start3A_178 = tpu.memref_slice %arg2[%add3A_10] : memref<16384xi32, #tpu.memory_space<hbm>> -> memref<128xi32, #tpu.memory_space<hbm>>
      tpu.enqueue_dma source(%dma_start3A_178 : memref<128xi32, #tpu.memory_space<hbm>>) target(%arg8 : memref<128xi32, #tpu.memory_space<vmem>>) target_semaphore(%run_scoped3A : memref<!tpu.dma_semaphore, #tpu.memory_space<semaphore_mem>>)
      %dma_wait3A_179 = tpu.memref_slice %arg2[%add3A_10] : memref<16384xi32, #tpu.memory_space<hbm>> -> memref<128xi32, #tpu.memory_space<hbm>>
      %dma_wait3A_180 = tpu.memref_slice %arg2[%add3A_10] : memref<16384xi32, #tpu.memory_space<hbm>> -> memref<128xi32, #tpu.memory_space<hbm>>
      tpu.wait_dma2 semaphore(%run_scoped3A : memref<!tpu.dma_semaphore, #tpu.memory_space<semaphore_mem>>) src(%dma_wait3A_180 : memref<128xi32, #tpu.memory_space<hbm>>) dst(%arg8 : memref<128xi32, #tpu.memory_space<vmem>>)
      tpu.yield
    }) : () -> ()
    %dma_start3A = arith.constant 0 : i32
    %dma_start3A_11 = tpu.memref_slice %arg3[%add3A_10, %dma_start3A] : memref<16384x64xf32, #tpu.memory_space<hbm>> -> memref<128x64xf32, #tpu.memory_space<hbm>>
    %dma_start3A_12 = arith.constant 0 : i32
    %dma_start3A_13 = tpu.memref_slice %arg3[%add3A_10, %dma_start3A_12] : memref<16384x64xf32, #tpu.memory_space<hbm>> -> memref<128x64xf32, #tpu.memory_space<hbm>>
    tpu.enqueue_dma source(%dma_start3A_13 : memref<128x64xf32, #tpu.memory_space<hbm>>) target(%arg11 : memref<128x64xf32, #tpu.memory_space<vmem>>) target_semaphore(%arg15 : memref<!tpu.dma_semaphore, #tpu.memory_space<semaphore_mem>>)
    %dma_start3A_14 = arith.constant 0 : i32
    %dma_start3A_15 = tpu.memref_slice %arg4[%add3A_10, %dma_start3A_14] : memref<16384x64xf32, #tpu.memory_space<hbm>> -> memref<128x64xf32, #tpu.memory_space<hbm>>
    %dma_start3A_16 = arith.constant 0 : i32
    %dma_start3A_17 = tpu.memref_slice %arg4[%add3A_10, %dma_start3A_16] : memref<16384x64xf32, #tpu.memory_space<hbm>> -> memref<128x64xf32, #tpu.memory_space<hbm>>
    tpu.enqueue_dma source(%dma_start3A_17 : memref<128x64xf32, #tpu.memory_space<hbm>>) target(%arg12 : memref<128x64xf32, #tpu.memory_space<vmem>>) target_semaphore(%arg16 : memref<!tpu.dma_semaphore, #tpu.memory_space<semaphore_mem>>)
    %dma_start3A_18 = arith.constant 0 : i32
    %dma_start3A_19 = arith.constant 0 : i32
    %dma_start3A_20 = tpu.memref_slice %arg5[%dma_start3A_18, %dma_start3A_19] : memref<1024x128xf32, #tpu.memory_space<hbm>> -> memref<1024x128xf32, #tpu.memory_space<hbm>>
    tpu.enqueue_indirect_dma source(%dma_start3A_20 : memref<1024x128xf32, #tpu.memory_space<hbm>>) target(%arg9 : memref<128x128xf32, #tpu.memory_space<vmem>>) offsets(%arg8 : memref<128xi32, #tpu.memory_space<vmem>>) semaphore(%arg14 : memref<!tpu.dma_semaphore, #tpu.memory_space<semaphore_mem>>)
    %dma_start3A_21 = arith.constant 0 : i32
    %dma_start3A_22 = arith.constant 0 : i32
    %dma_start3A_23 = tpu.memref_slice %arg6[%dma_start3A_21, %dma_start3A_22] : memref<1024x128xf32, #tpu.memory_space<hbm>> -> memref<1024x128xf32, #tpu.memory_space<hbm>>
    tpu.enqueue_indirect_dma source(%dma_start3A_23 : memref<1024x128xf32, #tpu.memory_space<hbm>>) target(%arg10 : memref<128x128xf32, #tpu.memory_space<vmem>>) offsets(%arg8 : memref<128xi32, #tpu.memory_space<vmem>>) semaphore(%arg17 : memref<!tpu.dma_semaphore, #tpu.memory_space<semaphore_mem>>)
    %dma_wait3A = arith.constant 0 : i32
    %dma_wait3A_24 = tpu.memref_slice %arg3[%add3A_10, %dma_wait3A] : memref<16384x64xf32, #tpu.memory_space<hbm>> -> memref<128x64xf32, #tpu.memory_space<hbm>>
    %dma_wait3A_25 = arith.constant 0 : i32
    %dma_wait3A_26 = tpu.memref_slice %arg3[%add3A_10, %dma_wait3A_25] : memref<16384x64xf32, #tpu.memory_space<hbm>> -> memref<128x64xf32, #tpu.memory_space<hbm>>
    tpu.wait_dma2 semaphore(%arg15 : memref<!tpu.dma_semaphore, #tpu.memory_space<semaphore_mem>>) src(%dma_wait3A_26 : memref<128x64xf32, #tpu.memory_space<hbm>>) dst(%arg11 : memref<128x64xf32, #tpu.memory_space<vmem>>)
    %dma_wait3A_27 = arith.constant 0 : i32
    %dma_wait3A_28 = tpu.memref_slice %arg4[%add3A_10, %dma_wait3A_27] : memref<16384x64xf32, #tpu.memory_space<hbm>> -> memref<128x64xf32, #tpu.memory_space<hbm>>
    %dma_wait3A_29 = arith.constant 0 : i32
    %dma_wait3A_30 = tpu.memref_slice %arg4[%add3A_10, %dma_wait3A_29] : memref<16384x64xf32, #tpu.memory_space<hbm>> -> memref<128x64xf32, #tpu.memory_space<hbm>>
    tpu.wait_dma2 semaphore(%arg16 : memref<!tpu.dma_semaphore, #tpu.memory_space<semaphore_mem>>) src(%dma_wait3A_30 : memref<128x64xf32, #tpu.memory_space<hbm>>) dst(%arg12 : memref<128x64xf32, #tpu.memory_space<vmem>>)
    %dma_wait3A_31 = arith.constant 0 : i32
    %dma_wait3A_32 = arith.constant 0 : i32
    %dma_wait3A_33 = tpu.memref_slice %arg5[%dma_wait3A_31, %dma_wait3A_32] : memref<1024x128xf32, #tpu.memory_space<hbm>> -> memref<1024x128xf32, #tpu.memory_space<hbm>>
    tpu.wait_indirect_dma semaphore(%arg14 : memref<!tpu.dma_semaphore, #tpu.memory_space<semaphore_mem>>) src(%dma_wait3A_33 : memref<1024x128xf32, #tpu.memory_space<hbm>>) dst(%arg9 : memref<128x128xf32, #tpu.memory_space<vmem>>)
    %dma_wait3A_34 = arith.constant 0 : i32
    %dma_wait3A_35 = arith.constant 0 : i32
    %dma_wait3A_36 = tpu.memref_slice %arg6[%dma_wait3A_34, %dma_wait3A_35] : memref<1024x128xf32, #tpu.memory_space<hbm>> -> memref<1024x128xf32, #tpu.memory_space<hbm>>
    tpu.wait_indirect_dma semaphore(%arg17 : memref<!tpu.dma_semaphore, #tpu.memory_space<semaphore_mem>>) src(%dma_wait3A_36 : memref<1024x128xf32, #tpu.memory_space<hbm>>) dst(%arg10 : memref<128x128xf32, #tpu.memory_space<vmem>>)
    %get3A = arith.constant 0 : index
    %get3A_37 = tpu.vector_load %arg13[%get3A] {strides = array<i32>} : memref<16xf32, #tpu.memory_space<vmem>>, vector<16xf32>,
    %get3A_38 = vector.shape_cast %get3A_37 : vector<16xf32> to vector<16xf32>
    %scan3A = arith.constant 0 : i32
    %scan3A_39 = arith.constant 128 : i32
    %scan3A_40 = arith.addi %scan3A, %scan3A_39 : i32
    %scan3A_41 = arith.constant 1 : i32
    %scan3A_42 = scf.for %scan3A_177 = %scan3A to %scan3A_40 step %scan3A_41 iter_args(%scan3A_178 = %get3A_38) -> (vector<16xf32>)  : i32 {
      %get3A_179 = arith.index_cast %scan3A_177 : i32 to index
      %get3A_180 = arith.constant 0 : index
      %get3A_181 = tpu.vector_load %arg9[%get3A_179, %get3A_180] {strides = array<i32>} : memref<128x128xf32, #tpu.memory_space<vmem>>, vector<1x16xf32>,
      %get3A_182 = vector.shape_cast %get3A_181 : vector<1x16xf32> to vector<16xf32>
      %get3A_183 = arith.index_cast %scan3A_177 : i32 to index
      %get3A_184 = arith.constant 0 : index
      %get3A_185 = tpu.vector_load %arg10[%get3A_183, %get3A_184] {strides = array<i32>} : memref<128x128xf32, #tpu.memory_space<vmem>>, vector<1x16xf32>,
      %get3A_186 = vector.shape_cast %get3A_185 : vector<1x16xf32> to vector<16xf32>
      %add3A_187 = arith.addf %get3A_182, %get3A_186 : vector<16xf32>
      %gt3A = arith.constant 0.000000e+00 : f32
      %gt3A_188 = vector.broadcast %gt3A : f32 to vector<16xf32>
      %gt3A_189 = arith.cmpf ogt, %add3A_187, %gt3A_188 : vector<16xf32>
      %lt3A = arith.constant 0.000000e+00 : f32
      %lt3A_190 = vector.broadcast %lt3A : f32 to vector<16xf32>
      %lt3A_191 = arith.cmpf olt, %add3A_187, %lt3A_190 : vector<16xf32>
      %neg3A = arith.constant 0.000000e+00 : f32
      %neg3A_192 = vector.broadcast %neg3A : f32 to vector<16xf32>
      %neg3A_193 = arith.subf %neg3A_192, %broadcast_in_dim3A_3 : vector<16xf32>
      %get3A_194 = arith.index_cast %scan3A_177 : i32 to index
      %get3A_195 = arith.constant 0 : index
      %get3A_196 = tpu.vector_load %arg12[%get3A_194, %get3A_195] {strides = array<i32>} : memref<128x64xf32, #tpu.memory_space<vmem>>, vector<1x16xf32>,
      %get3A_197 = vector.shape_cast %get3A_196 : vector<1x16xf32> to vector<16xf32>
      %select_n3A = arith.select %lt3A_191, %neg3A_193, %get3A_197 : vector<16xi1>, vector<16xf32>
      %select_n3A_198 = arith.select %gt3A_189, %broadcast_in_dim3A_3, %select_n3A : vector<16xi1>, vector<16xf32>
      %get3A_199 = arith.index_cast %scan3A_177 : i32 to index
      %get3A_200 = arith.constant 0 : index
      %get3A_201 = tpu.vector_load %arg11[%get3A_199, %get3A_200] {strides = array<i32>} : memref<128x64xf32, #tpu.memory_space<vmem>>, vector<1x16xf32>,
      %get3A_202 = vector.shape_cast %get3A_201 : vector<1x16xf32> to vector<16xf32>
      %sub3A = arith.subf %get3A_202, %select_n3A_198 : vector<16xf32>
      %mul3A_203 = arith.mulf %sub3A, %sub3A : vector<16xf32>
      %add3A_204 = arith.addf %scan3A_178, %mul3A_203 : vector<16xf32>
      %get3A_205 = arith.index_cast %scan3A_177 : i32 to index
      %get3A_206 = arith.constant 16 : index
      %get3A_207 = tpu.vector_load %arg9[%get3A_205, %get3A_206] {strides = array<i32>} : memref<128x128xf32, #tpu.memory_space<vmem>>, vector<1x16xf32>,
      %get3A_208 = vector.shape_cast %get3A_207 : vector<1x16xf32> to vector<16xf32>
      %get3A_209 = arith.index_cast %scan3A_177 : i32 to index
      %get3A_210 = arith.constant 16 : index
      %get3A_211 = tpu.vector_load %arg10[%get3A_209, %get3A_210] {strides = array<i32>} : memref<128x128xf32, #tpu.memory_space<vmem>>, vector<1x16xf32>,
      %get3A_212 = vector.shape_cast %get3A_211 : vector<1x16xf32> to vector<16xf32>
      %add3A_213 = arith.addf %get3A_208, %get3A_212 : vector<16xf32>
      %gt3A_214 = arith.constant 0.000000e+00 : f32
      %gt3A_215 = vector.broadcast %gt3A_214 : f32 to vector<16xf32>
      %gt3A_216 = arith.cmpf ogt, %add3A_213, %gt3A_215 : vector<16xf32>
      %lt3A_217 = arith.constant 0.000000e+00 : f32
      %lt3A_218 = vector.broadcast %lt3A_217 : f32 to vector<16xf32>
      %lt3A_219 = arith.cmpf olt, %add3A_213, %lt3A_218 : vector<16xf32>
      %neg3A_220 = arith.constant 0.000000e+00 : f32
      %neg3A_221 = vector.broadcast %neg3A_220 : f32 to vector<16xf32>
      %neg3A_222 = arith.subf %neg3A_221, %broadcast_in_dim3A_3 : vector<16xf32>
      %get3A_223 = arith.index_cast %scan3A_177 : i32 to index
      %get3A_224 = arith.constant 16 : index
      %get3A_225 = tpu.vector_load %arg12[%get3A_223, %get3A_224] {strides = array<i32>} : memref<128x64xf32, #tpu.memory_space<vmem>>, vector<1x16xf32>,
      %get3A_226 = vector.shape_cast %get3A_225 : vector<1x16xf32> to vector<16xf32>
      %select_n3A_227 = arith.select %lt3A_219, %neg3A_222, %get3A_226 : vector<16xi1>, vector<16xf32>
      %select_n3A_228 = arith.select %gt3A_216, %broadcast_in_dim3A_3, %select_n3A_227 : vector<16xi1>, vector<16xf32>
      %get3A_229 = arith.index_cast %scan3A_177 : i32 to index
      %get3A_230 = arith.constant 16 : index
      %get3A_231 = tpu.vector_load %arg11[%get3A_229, %get3A_230] {strides = array<i32>} : memref<128x64xf32, #tpu.memory_space<vmem>>, vector<1x16xf32>,
      %get3A_232 = vector.shape_cast %get3A_231 : vector<1x16xf32> to vector<16xf32>
      %sub3A_233 = arith.subf %get3A_232, %select_n3A_228 : vector<16xf32>
      %mul3A_234 = arith.mulf %sub3A_233, %sub3A_233 : vector<16xf32>
      %add3A_235 = arith.addf %add3A_204, %mul3A_234 : vector<16xf32>
      %get3A_236 = arith.index_cast %scan3A_177 : i32 to index
      %get3A_237 = arith.constant 32 : index
      %get3A_238 = tpu.vector_load %arg9[%get3A_236, %get3A_237] {strides = array<i32>} : memref<128x128xf32, #tpu.memory_space<vmem>>, vector<1x16xf32>,
      %get3A_239 = vector.shape_cast %get3A_238 : vector<1x16xf32> to vector<16xf32>
      %get3A_240 = arith.index_cast %scan3A_177 : i32 to index
      %get3A_241 = arith.constant 32 : index
      %get3A_242 = tpu.vector_load %arg10[%get3A_240, %get3A_241] {strides = array<i32>} : memref<128x128xf32, #tpu.memory_space<vmem>>, vector<1x16xf32>,
      %get3A_243 = vector.shape_cast %get3A_242 : vector<1x16xf32> to vector<16xf32>
      %add3A_244 = arith.addf %get3A_239, %get3A_243 : vector<16xf32>
      %gt3A_245 = arith.constant 0.000000e+00 : f32
      %gt3A_246 = vector.broadcast %gt3A_245 : f32 to vector<16xf32>
      %gt3A_247 = arith.cmpf ogt, %add3A_244, %gt3A_246 : vector<16xf32>
      %lt3A_248 = arith.constant 0.000000e+00 : f32
      %lt3A_249 = vector.broadcast %lt3A_248 : f32 to vector<16xf32>
      %lt3A_250 = arith.cmpf olt, %add3A_244, %lt3A_249 : vector<16xf32>
      %neg3A_251 = arith.constant 0.000000e+00 : f32
      %neg3A_252 = vector.broadcast %neg3A_251 : f32 to vector<16xf32>
      %neg3A_253 = arith.subf %neg3A_252, %broadcast_in_dim3A_3 : vector<16xf32>
      %get3A_254 = arith.index_cast %scan3A_177 : i32 to index
      %get3A_255 = arith.constant 32 : index
      %get3A_256 = tpu.vector_load %arg12[%get3A_254, %get3A_255] {strides = array<i32>} : memref<128x64xf32, #tpu.memory_space<vmem>>, vector<1x16xf32>,
      %get3A_257 = vector.shape_cast %get3A_256 : vector<1x16xf32> to vector<16xf32>
      %select_n3A_258 = arith.select %lt3A_250, %neg3A_253, %get3A_257 : vector<16xi1>, vector<16xf32>
      %select_n3A_259 = arith.select %gt3A_247, %broadcast_in_dim3A_3, %select_n3A_258 : vector<16xi1>, vector<16xf32>
      %get3A_260 = arith.index_cast %scan3A_177 : i32 to index
      %get3A_261 = arith.constant 32 : index
      %get3A_262 = tpu.vector_load %arg11[%get3A_260, %get3A_261] {strides = array<i32>} : memref<128x64xf32, #tpu.memory_space<vmem>>, vector<1x16xf32>,
      %get3A_263 = vector.shape_cast %get3A_262 : vector<1x16xf32> to vector<16xf32>
      %sub3A_264 = arith.subf %get3A_263, %select_n3A_259 : vector<16xf32>
      %mul3A_265 = arith.mulf %sub3A_264, %sub3A_264 : vector<16xf32>
      %add3A_266 = arith.addf %add3A_235, %mul3A_265 : vector<16xf32>
      %get3A_267 = arith.index_cast %scan3A_177 : i32 to index
      %get3A_268 = arith.constant 48 : index
      %get3A_269 = tpu.vector_load %arg9[%get3A_267, %get3A_268] {strides = array<i32>} : memref<128x128xf32, #tpu.memory_space<vmem>>, vector<1x16xf32>,
      %get3A_270 = vector.shape_cast %get3A_269 : vector<1x16xf32> to vector<16xf32>
      %get3A_271 = arith.index_cast %scan3A_177 : i32 to index
      %get3A_272 = arith.constant 48 : index
      %get3A_273 = tpu.vector_load %arg10[%get3A_271, %get3A_272] {strides = array<i32>} : memref<128x128xf32, #tpu.memory_space<vmem>>, vector<1x16xf32>,
      %get3A_274 = vector.shape_cast %get3A_273 : vector<1x16xf32> to vector<16xf32>
      %add3A_275 = arith.addf %get3A_270, %get3A_274 : vector<16xf32>
      %gt3A_276 = arith.constant 0.000000e+00 : f32
      %gt3A_277 = vector.broadcast %gt3A_276 : f32 to vector<16xf32>
      %gt3A_278 = arith.cmpf ogt, %add3A_275, %gt3A_277 : vector<16xf32>
      %lt3A_279 = arith.constant 0.000000e+00 : f32
      %lt3A_280 = vector.broadcast %lt3A_279 : f32 to vector<16xf32>
      %lt3A_281 = arith.cmpf olt, %add3A_275, %lt3A_280 : vector<16xf32>
      %neg3A_282 = arith.constant 0.000000e+00 : f32
      %neg3A_283 = vector.broadcast %neg3A_282 : f32 to vector<16xf32>
      %neg3A_284 = arith.subf %neg3A_283, %broadcast_in_dim3A_3 : vector<16xf32>
      %get3A_285 = arith.index_cast %scan3A_177 : i32 to index
      %get3A_286 = arith.constant 48 : index
      %get3A_287 = tpu.vector_load %arg12[%get3A_285, %get3A_286] {strides = array<i32>} : memref<128x64xf32, #tpu.memory_space<vmem>>, vector<1x16xf32>,
      %get3A_288 = vector.shape_cast %get3A_287 : vector<1x16xf32> to vector<16xf32>
      %select_n3A_289 = arith.select %lt3A_281, %neg3A_284, %get3A_288 : vector<16xi1>, vector<16xf32>
      %select_n3A_290 = arith.select %gt3A_278, %broadcast_in_dim3A_3, %select_n3A_289 : vector<16xi1>, vector<16xf32>
      %get3A_291 = arith.index_cast %scan3A_177 : i32 to index
      %get3A_292 = arith.constant 48 : index
      %get3A_293 = tpu.vector_load %arg11[%get3A_291, %get3A_292] {strides = array<i32>} : memref<128x64xf32, #tpu.memory_space<vmem>>, vector<1x16xf32>,
      %get3A_294 = vector.shape_cast %get3A_293 : vector<1x16xf32> to vector<16xf32>
      %sub3A_295 = arith.subf %get3A_294, %select_n3A_290 : vector<16xf32>
      %mul3A_296 = arith.mulf %sub3A_295, %sub3A_295 : vector<16xf32>
      %add3A_297 = arith.addf %add3A_266, %mul3A_296 : vector<16xf32>
      scf.yield %add3A_297 : vector<16xf32>
    }
    %scan3A_43 = arith.constant 128 : i32
    %swap3A_44 = arith.constant 0 : index
    %swap3A_45 = tpu.vector_load %arg13[%swap3A_44] {strides = array<i32>} : memref<16xf32, #tpu.memory_space<vmem>>, vector<16xf32>,
    %swap3A_46 = vector.shape_cast %swap3A_45 : vector<16xf32> to vector<16xf32>
    %swap3A_47 = vector.shape_cast %scan3A_42 : vector<16xf32> to vector<16xf32>
    tpu.vector_store %arg13[%swap3A_44], %swap3A_47 {strides = array<i32>} : memref<16xf32, #tpu.memory_space<vmem>>, vector<16xf32>,
    %add3A_48 = arith.constant 128 : i32
    %add3A_49 = arith.addi %mul3A_2, %add3A_48 : i32
    "tpu.region"() ({
      %run_scoped3A = tpu.sem_alloc : memref<!tpu.dma_semaphore, #tpu.memory_space<semaphore_mem>>
      %dma_start3A_177 = tpu.memref_slice %arg2[%add3A_49] : memref<16384xi32, #tpu.memory_space<hbm>> -> memref<128xi32, #tpu.memory_space<hbm>>
      %dma_start3A_178 = tpu.memref_slice %arg2[%add3A_49] : memref<16384xi32, #tpu.memory_space<hbm>> -> memref<128xi32, #tpu.memory_space<hbm>>
      tpu.enqueue_dma source(%dma_start3A_178 : memref<128xi32, #tpu.memory_space<hbm>>) target(%arg8 : memref<128xi32, #tpu.memory_space<vmem>>) target_semaphore(%run_scoped3A : memref<!tpu.dma_semaphore, #tpu.memory_space<semaphore_mem>>)
      %dma_wait3A_179 = tpu.memref_slice %arg2[%add3A_49] : memref<16384xi32, #tpu.memory_space<hbm>> -> memref<128xi32, #tpu.memory_space<hbm>>
      %dma_wait3A_180 = tpu.memref_slice %arg2[%add3A_49] : memref<16384xi32, #tpu.memory_space<hbm>> -> memref<128xi32, #tpu.memory_space<hbm>>
      tpu.wait_dma2 semaphore(%run_scoped3A : memref<!tpu.dma_semaphore, #tpu.memory_space<semaphore_mem>>) src(%dma_wait3A_180 : memref<128xi32, #tpu.memory_space<hbm>>) dst(%arg8 : memref<128xi32, #tpu.memory_space<vmem>>)
      tpu.yield
    }) : () -> ()
    %dma_start3A_50 = arith.constant 0 : i32
    %dma_start3A_51 = tpu.memref_slice %arg3[%add3A_49, %dma_start3A_50] : memref<16384x64xf32, #tpu.memory_space<hbm>> -> memref<128x64xf32, #tpu.memory_space<hbm>>
    %dma_start3A_52 = arith.constant 0 : i32
    %dma_start3A_53 = tpu.memref_slice %arg3[%add3A_49, %dma_start3A_52] : memref<16384x64xf32, #tpu.memory_space<hbm>> -> memref<128x64xf32, #tpu.memory_space<hbm>>
    tpu.enqueue_dma source(%dma_start3A_53 : memref<128x64xf32, #tpu.memory_space<hbm>>) target(%arg11 : memref<128x64xf32, #tpu.memory_space<vmem>>) target_semaphore(%arg15 : memref<!tpu.dma_semaphore, #tpu.memory_space<semaphore_mem>>)
    %dma_start3A_54 = arith.constant 0 : i32
    %dma_start3A_55 = tpu.memref_slice %arg4[%add3A_49, %dma_start3A_54] : memref<16384x64xf32, #tpu.memory_space<hbm>> -> memref<128x64xf32, #tpu.memory_space<hbm>>
    %dma_start3A_56 = arith.constant 0 : i32
    %dma_start3A_57 = tpu.memref_slice %arg4[%add3A_49, %dma_start3A_56] : memref<16384x64xf32, #tpu.memory_space<hbm>> -> memref<128x64xf32, #tpu.memory_space<hbm>>
    tpu.enqueue_dma source(%dma_start3A_57 : memref<128x64xf32, #tpu.memory_space<hbm>>) target(%arg12 : memref<128x64xf32, #tpu.memory_space<vmem>>) target_semaphore(%arg16 : memref<!tpu.dma_semaphore, #tpu.memory_space<semaphore_mem>>)
    %dma_start3A_58 = arith.constant 0 : i32
    %dma_start3A_59 = arith.constant 0 : i32
    %dma_start3A_60 = tpu.memref_slice %arg5[%dma_start3A_58, %dma_start3A_59] : memref<1024x128xf32, #tpu.memory_space<hbm>> -> memref<1024x128xf32, #tpu.memory_space<hbm>>
    tpu.enqueue_indirect_dma source(%dma_start3A_60 : memref<1024x128xf32, #tpu.memory_space<hbm>>) target(%arg9 : memref<128x128xf32, #tpu.memory_space<vmem>>) offsets(%arg8 : memref<128xi32, #tpu.memory_space<vmem>>) semaphore(%arg14 : memref<!tpu.dma_semaphore, #tpu.memory_space<semaphore_mem>>)
    %dma_start3A_61 = arith.constant 0 : i32
    %dma_start3A_62 = arith.constant 0 : i32
    %dma_start3A_63 = tpu.memref_slice %arg6[%dma_start3A_61, %dma_start3A_62] : memref<1024x128xf32, #tpu.memory_space<hbm>> -> memref<1024x128xf32, #tpu.memory_space<hbm>>
    tpu.enqueue_indirect_dma source(%dma_start3A_63 : memref<1024x128xf32, #tpu.memory_space<hbm>>) target(%arg10 : memref<128x128xf32, #tpu.memory_space<vmem>>) offsets(%arg8 : memref<128xi32, #tpu.memory_space<vmem>>) semaphore(%arg17 : memref<!tpu.dma_semaphore, #tpu.memory_space<semaphore_mem>>)
    %dma_wait3A_64 = arith.constant 0 : i32
    %dma_wait3A_65 = tpu.memref_slice %arg3[%add3A_49, %dma_wait3A_64] : memref<16384x64xf32, #tpu.memory_space<hbm>> -> memref<128x64xf32, #tpu.memory_space<hbm>>
    %dma_wait3A_66 = arith.constant 0 : i32
    %dma_wait3A_67 = tpu.memref_slice %arg3[%add3A_49, %dma_wait3A_66] : memref<16384x64xf32, #tpu.memory_space<hbm>> -> memref<128x64xf32, #tpu.memory_space<hbm>>
    tpu.wait_dma2 semaphore(%arg15 : memref<!tpu.dma_semaphore, #tpu.memory_space<semaphore_mem>>) src(%dma_wait3A_67 : memref<128x64xf32, #tpu.memory_space<hbm>>) dst(%arg11 : memref<128x64xf32, #tpu.memory_space<vmem>>)
    %dma_wait3A_68 = arith.constant 0 : i32
    %dma_wait3A_69 = tpu.memref_slice %arg4[%add3A_49, %dma_wait3A_68] : memref<16384x64xf32, #tpu.memory_space<hbm>> -> memref<128x64xf32, #tpu.memory_space<hbm>>
    %dma_wait3A_70 = arith.constant 0 : i32
    %dma_wait3A_71 = tpu.memref_slice %arg4[%add3A_49, %dma_wait3A_70] : memref<16384x64xf32, #tpu.memory_space<hbm>> -> memref<128x64xf32, #tpu.memory_space<hbm>>
    tpu.wait_dma2 semaphore(%arg16 : memref<!tpu.dma_semaphore, #tpu.memory_space<semaphore_mem>>) src(%dma_wait3A_71 : memref<128x64xf32, #tpu.memory_space<hbm>>) dst(%arg12 : memref<128x64xf32, #tpu.memory_space<vmem>>)
    %dma_wait3A_72 = arith.constant 0 : i32
    %dma_wait3A_73 = arith.constant 0 : i32
    %dma_wait3A_74 = tpu.memref_slice %arg5[%dma_wait3A_72, %dma_wait3A_73] : memref<1024x128xf32, #tpu.memory_space<hbm>> -> memref<1024x128xf32, #tpu.memory_space<hbm>>
    tpu.wait_indirect_dma semaphore(%arg14 : memref<!tpu.dma_semaphore, #tpu.memory_space<semaphore_mem>>) src(%dma_wait3A_74 : memref<1024x128xf32, #tpu.memory_space<hbm>>) dst(%arg9 : memref<128x128xf32, #tpu.memory_space<vmem>>)
    %dma_wait3A_75 = arith.constant 0 : i32
    %dma_wait3A_76 = arith.constant 0 : i32
    %dma_wait3A_77 = tpu.memref_slice %arg6[%dma_wait3A_75, %dma_wait3A_76] : memref<1024x128xf32, #tpu.memory_space<hbm>> -> memref<1024x128xf32, #tpu.memory_space<hbm>>
    tpu.wait_indirect_dma semaphore(%arg17 : memref<!tpu.dma_semaphore, #tpu.memory_space<semaphore_mem>>) src(%dma_wait3A_77 : memref<1024x128xf32, #tpu.memory_space<hbm>>) dst(%arg10 : memref<128x128xf32, #tpu.memory_space<vmem>>)
    %get3A_78 = arith.constant 0 : index
    %get3A_79 = tpu.vector_load %arg13[%get3A_78] {strides = array<i32>} : memref<16xf32, #tpu.memory_space<vmem>>, vector<16xf32>,
    %get3A_80 = vector.shape_cast %get3A_79 : vector<16xf32> to vector<16xf32>
    %scan3A_81 = arith.constant 0 : i32
    %scan3A_82 = arith.constant 128 : i32
    %scan3A_83 = arith.addi %scan3A_81, %scan3A_82 : i32
    %scan3A_84 = arith.constant 1 : i32
    %scan3A_85 = scf.for %scan3A_177 = %scan3A_81 to %scan3A_83 step %scan3A_84 iter_args(%scan3A_178 = %get3A_80) -> (vector<16xf32>)  : i32 {
      %get3A_179 = arith.index_cast %scan3A_177 : i32 to index
      %get3A_180 = arith.constant 0 : index
      %get3A_181 = tpu.vector_load %arg9[%get3A_179, %get3A_180] {strides = array<i32>} : memref<128x128xf32, #tpu.memory_space<vmem>>, vector<1x16xf32>,
      %get3A_182 = vector.shape_cast %get3A_181 : vector<1x16xf32> to vector<16xf32>
      %get3A_183 = arith.index_cast %scan3A_177 : i32 to index
      %get3A_184 = arith.constant 0 : index
      %get3A_185 = tpu.vector_load %arg10[%get3A_183, %get3A_184] {strides = array<i32>} : memref<128x128xf32, #tpu.memory_space<vmem>>, vector<1x16xf32>,
      %get3A_186 = vector.shape_cast %get3A_185 : vector<1x16xf32> to vector<16xf32>
      %add3A_187 = arith.addf %get3A_182, %get3A_186 : vector<16xf32>
      %gt3A = arith.constant 0.000000e+00 : f32
      %gt3A_188 = vector.broadcast %gt3A : f32 to vector<16xf32>
      %gt3A_189 = arith.cmpf ogt, %add3A_187, %gt3A_188 : vector<16xf32>
      %lt3A = arith.constant 0.000000e+00 : f32
      %lt3A_190 = vector.broadcast %lt3A : f32 to vector<16xf32>
      %lt3A_191 = arith.cmpf olt, %add3A_187, %lt3A_190 : vector<16xf32>
      %neg3A = arith.constant 0.000000e+00 : f32
      %neg3A_192 = vector.broadcast %neg3A : f32 to vector<16xf32>
      %neg3A_193 = arith.subf %neg3A_192, %broadcast_in_dim3A_3 : vector<16xf32>
      %get3A_194 = arith.index_cast %scan3A_177 : i32 to index
      %get3A_195 = arith.constant 0 : index
      %get3A_196 = tpu.vector_load %arg12[%get3A_194, %get3A_195] {strides = array<i32>} : memref<128x64xf32, #tpu.memory_space<vmem>>, vector<1x16xf32>,
      %get3A_197 = vector.shape_cast %get3A_196 : vector<1x16xf32> to vector<16xf32>
      %select_n3A = arith.select %lt3A_191, %neg3A_193, %get3A_197 : vector<16xi1>, vector<16xf32>
      %select_n3A_198 = arith.select %gt3A_189, %broadcast_in_dim3A_3, %select_n3A : vector<16xi1>, vector<16xf32>
      %get3A_199 = arith.index_cast %scan3A_177 : i32 to index
      %get3A_200 = arith.constant 0 : index
      %get3A_201 = tpu.vector_load %arg11[%get3A_199, %get3A_200] {strides = array<i32>} : memref<128x64xf32, #tpu.memory_space<vmem>>, vector<1x16xf32>,
      %get3A_202 = vector.shape_cast %get3A_201 : vector<1x16xf32> to vector<16xf32>
      %sub3A = arith.subf %get3A_202, %select_n3A_198 : vector<16xf32>
      %mul3A_203 = arith.mulf %sub3A, %sub3A : vector<16xf32>
      %add3A_204 = arith.addf %scan3A_178, %mul3A_203 : vector<16xf32>
      %get3A_205 = arith.index_cast %scan3A_177 : i32 to index
      %get3A_206 = arith.constant 16 : index
      %get3A_207 = tpu.vector_load %arg9[%get3A_205, %get3A_206] {strides = array<i32>} : memref<128x128xf32, #tpu.memory_space<vmem>>, vector<1x16xf32>,
      %get3A_208 = vector.shape_cast %get3A_207 : vector<1x16xf32> to vector<16xf32>
      %get3A_209 = arith.index_cast %scan3A_177 : i32 to index
      %get3A_210 = arith.constant 16 : index
      %get3A_211 = tpu.vector_load %arg10[%get3A_209, %get3A_210] {strides = array<i32>} : memref<128x128xf32, #tpu.memory_space<vmem>>, vector<1x16xf32>,
      %get3A_212 = vector.shape_cast %get3A_211 : vector<1x16xf32> to vector<16xf32>
      %add3A_213 = arith.addf %get3A_208, %get3A_212 : vector<16xf32>
      %gt3A_214 = arith.constant 0.000000e+00 : f32
      %gt3A_215 = vector.broadcast %gt3A_214 : f32 to vector<16xf32>
      %gt3A_216 = arith.cmpf ogt, %add3A_213, %gt3A_215 : vector<16xf32>
      %lt3A_217 = arith.constant 0.000000e+00 : f32
      %lt3A_218 = vector.broadcast %lt3A_217 : f32 to vector<16xf32>
      %lt3A_219 = arith.cmpf olt, %add3A_213, %lt3A_218 : vector<16xf32>
      %neg3A_220 = arith.constant 0.000000e+00 : f32
      %neg3A_221 = vector.broadcast %neg3A_220 : f32 to vector<16xf32>
      %neg3A_222 = arith.subf %neg3A_221, %broadcast_in_dim3A_3 : vector<16xf32>
      %get3A_223 = arith.index_cast %scan3A_177 : i32 to index
      %get3A_224 = arith.constant 16 : index
      %get3A_225 = tpu.vector_load %arg12[%get3A_223, %get3A_224] {strides = array<i32>} : memref<128x64xf32, #tpu.memory_space<vmem>>, vector<1x16xf32>,
      %get3A_226 = vector.shape_cast %get3A_225 : vector<1x16xf32> to vector<16xf32>
      %select_n3A_227 = arith.select %lt3A_219, %neg3A_222, %get3A_226 : vector<16xi1>, vector<16xf32>
      %select_n3A_228 = arith.select %gt3A_216, %broadcast_in_dim3A_3, %select_n3A_227 : vector<16xi1>, vector<16xf32>
      %get3A_229 = arith.index_cast %scan3A_177 : i32 to index
      %get3A_230 = arith.constant 16 : index
      %get3A_231 = tpu.vector_load %arg11[%get3A_229, %get3A_230] {strides = array<i32>} : memref<128x64xf32, #tpu.memory_space<vmem>>, vector<1x16xf32>,
      %get3A_232 = vector.shape_cast %get3A_231 : vector<1x16xf32> to vector<16xf32>
      %sub3A_233 = arith.subf %get3A_232, %select_n3A_228 : vector<16xf32>
      %mul3A_234 = arith.mulf %sub3A_233, %sub3A_233 : vector<16xf32>
      %add3A_235 = arith.addf %add3A_204, %mul3A_234 : vector<16xf32>
      %get3A_236 = arith.index_cast %scan3A_177 : i32 to index
      %get3A_237 = arith.constant 32 : index
      %get3A_238 = tpu.vector_load %arg9[%get3A_236, %get3A_237] {strides = array<i32>} : memref<128x128xf32, #tpu.memory_space<vmem>>, vector<1x16xf32>,
      %get3A_239 = vector.shape_cast %get3A_238 : vector<1x16xf32> to vector<16xf32>
      %get3A_240 = arith.index_cast %scan3A_177 : i32 to index
      %get3A_241 = arith.constant 32 : index
      %get3A_242 = tpu.vector_load %arg10[%get3A_240, %get3A_241] {strides = array<i32>} : memref<128x128xf32, #tpu.memory_space<vmem>>, vector<1x16xf32>,
      %get3A_243 = vector.shape_cast %get3A_242 : vector<1x16xf32> to vector<16xf32>
      %add3A_244 = arith.addf %get3A_239, %get3A_243 : vector<16xf32>
      %gt3A_245 = arith.constant 0.000000e+00 : f32
      %gt3A_246 = vector.broadcast %gt3A_245 : f32 to vector<16xf32>
      %gt3A_247 = arith.cmpf ogt, %add3A_244, %gt3A_246 : vector<16xf32>
      %lt3A_248 = arith.constant 0.000000e+00 : f32
      %lt3A_249 = vector.broadcast %lt3A_248 : f32 to vector<16xf32>
      %lt3A_250 = arith.cmpf olt, %add3A_244, %lt3A_249 : vector<16xf32>
      %neg3A_251 = arith.constant 0.000000e+00 : f32
      %neg3A_252 = vector.broadcast %neg3A_251 : f32 to vector<16xf32>
      %neg3A_253 = arith.subf %neg3A_252, %broadcast_in_dim3A_3 : vector<16xf32>
      %get3A_254 = arith.index_cast %scan3A_177 : i32 to index
      %get3A_255 = arith.constant 32 : index
      %get3A_256 = tpu.vector_load %arg12[%get3A_254, %get3A_255] {strides = array<i32>} : memref<128x64xf32, #tpu.memory_space<vmem>>, vector<1x16xf32>,
      %get3A_257 = vector.shape_cast %get3A_256 : vector<1x16xf32> to vector<16xf32>
      %select_n3A_258 = arith.select %lt3A_250, %neg3A_253, %get3A_257 : vector<16xi1>, vector<16xf32>
      %select_n3A_259 = arith.select %gt3A_247, %broadcast_in_dim3A_3, %select_n3A_258 : vector<16xi1>, vector<16xf32>
      %get3A_260 = arith.index_cast %scan3A_177 : i32 to index
      %get3A_261 = arith.constant 32 : index
      %get3A_262 = tpu.vector_load %arg11[%get3A_260, %get3A_261] {strides = array<i32>} : memref<128x64xf32, #tpu.memory_space<vmem>>, vector<1x16xf32>,
      %get3A_263 = vector.shape_cast %get3A_262 : vector<1x16xf32> to vector<16xf32>
      %sub3A_264 = arith.subf %get3A_263, %select_n3A_259 : vector<16xf32>
      %mul3A_265 = arith.mulf %sub3A_264, %sub3A_264 : vector<16xf32>
      %add3A_266 = arith.addf %add3A_235, %mul3A_265 : vector<16xf32>
      %get3A_267 = arith.index_cast %scan3A_177 : i32 to index
      %get3A_268 = arith.constant 48 : index
      %get3A_269 = tpu.vector_load %arg9[%get3A_267, %get3A_268] {strides = array<i32>} : memref<128x128xf32, #tpu.memory_space<vmem>>, vector<1x16xf32>,
      %get3A_270 = vector.shape_cast %get3A_269 : vector<1x16xf32> to vector<16xf32>
      %get3A_271 = arith.index_cast %scan3A_177 : i32 to index
      %get3A_272 = arith.constant 48 : index
      %get3A_273 = tpu.vector_load %arg10[%get3A_271, %get3A_272] {strides = array<i32>} : memref<128x128xf32, #tpu.memory_space<vmem>>, vector<1x16xf32>,
      %get3A_274 = vector.shape_cast %get3A_273 : vector<1x16xf32> to vector<16xf32>
      %add3A_275 = arith.addf %get3A_270, %get3A_274 : vector<16xf32>
      %gt3A_276 = arith.constant 0.000000e+00 : f32
      %gt3A_277 = vector.broadcast %gt3A_276 : f32 to vector<16xf32>
      %gt3A_278 = arith.cmpf ogt, %add3A_275, %gt3A_277 : vector<16xf32>
      %lt3A_279 = arith.constant 0.000000e+00 : f32
      %lt3A_280 = vector.broadcast %lt3A_279 : f32 to vector<16xf32>
      %lt3A_281 = arith.cmpf olt, %add3A_275, %lt3A_280 : vector<16xf32>
      %neg3A_282 = arith.constant 0.000000e+00 : f32
      %neg3A_283 = vector.broadcast %neg3A_282 : f32 to vector<16xf32>
      %neg3A_284 = arith.subf %neg3A_283, %broadcast_in_dim3A_3 : vector<16xf32>
      %get3A_285 = arith.index_cast %scan3A_177 : i32 to index
      %get3A_286 = arith.constant 48 : index
      %get3A_287 = tpu.vector_load %arg12[%get3A_285, %get3A_286] {strides = array<i32>} : memref<128x64xf32, #tpu.memory_space<vmem>>, vector<1x16xf32>,
      %get3A_288 = vector.shape_cast %get3A_287 : vector<1x16xf32> to vector<16xf32>
      %select_n3A_289 = arith.select %lt3A_281, %neg3A_284, %get3A_288 : vector<16xi1>, vector<16xf32>
      %select_n3A_290 = arith.select %gt3A_278, %broadcast_in_dim3A_3, %select_n3A_289 : vector<16xi1>, vector<16xf32>
      %get3A_291 = arith.index_cast %scan3A_177 : i32 to index
      %get3A_292 = arith.constant 48 : index
      %get3A_293 = tpu.vector_load %arg11[%get3A_291, %get3A_292] {strides = array<i32>} : memref<128x64xf32, #tpu.memory_space<vmem>>, vector<1x16xf32>,
      %get3A_294 = vector.shape_cast %get3A_293 : vector<1x16xf32> to vector<16xf32>
      %sub3A_295 = arith.subf %get3A_294, %select_n3A_290 : vector<16xf32>
      %mul3A_296 = arith.mulf %sub3A_295, %sub3A_295 : vector<16xf32>
      %add3A_297 = arith.addf %add3A_266, %mul3A_296 : vector<16xf32>
      scf.yield %add3A_297 : vector<16xf32>
    }
    %scan3A_86 = arith.constant 128 : i32
    %swap3A_87 = arith.constant 0 : index
    %swap3A_88 = tpu.vector_load %arg13[%swap3A_87] {strides = array<i32>} : memref<16xf32, #tpu.memory_space<vmem>>, vector<16xf32>,
    %swap3A_89 = vector.shape_cast %swap3A_88 : vector<16xf32> to vector<16xf32>
    %swap3A_90 = vector.shape_cast %scan3A_85 : vector<16xf32> to vector<16xf32>
    tpu.vector_store %arg13[%swap3A_87], %swap3A_90 {strides = array<i32>} : memref<16xf32, #tpu.memory_space<vmem>>, vector<16xf32>,
    %add3A_91 = arith.constant 256 : i32
    %add3A_92 = arith.addi %mul3A_2, %add3A_91 : i32
    "tpu.region"() ({
      %run_scoped3A = tpu.sem_alloc : memref<!tpu.dma_semaphore, #tpu.memory_space<semaphore_mem>>
      %dma_start3A_177 = tpu.memref_slice %arg2[%add3A_92] : memref<16384xi32, #tpu.memory_space<hbm>> -> memref<128xi32, #tpu.memory_space<hbm>>
      %dma_start3A_178 = tpu.memref_slice %arg2[%add3A_92] : memref<16384xi32, #tpu.memory_space<hbm>> -> memref<128xi32, #tpu.memory_space<hbm>>
      tpu.enqueue_dma source(%dma_start3A_178 : memref<128xi32, #tpu.memory_space<hbm>>) target(%arg8 : memref<128xi32, #tpu.memory_space<vmem>>) target_semaphore(%run_scoped3A : memref<!tpu.dma_semaphore, #tpu.memory_space<semaphore_mem>>)
      %dma_wait3A_179 = tpu.memref_slice %arg2[%add3A_92] : memref<16384xi32, #tpu.memory_space<hbm>> -> memref<128xi32, #tpu.memory_space<hbm>>
      %dma_wait3A_180 = tpu.memref_slice %arg2[%add3A_92] : memref<16384xi32, #tpu.memory_space<hbm>> -> memref<128xi32, #tpu.memory_space<hbm>>
      tpu.wait_dma2 semaphore(%run_scoped3A : memref<!tpu.dma_semaphore, #tpu.memory_space<semaphore_mem>>) src(%dma_wait3A_180 : memref<128xi32, #tpu.memory_space<hbm>>) dst(%arg8 : memref<128xi32, #tpu.memory_space<vmem>>)
      tpu.yield
    }) : () -> ()
    %dma_start3A_93 = arith.constant 0 : i32
    %dma_start3A_94 = tpu.memref_slice %arg3[%add3A_92, %dma_start3A_93] : memref<16384x64xf32, #tpu.memory_space<hbm>> -> memref<128x64xf32, #tpu.memory_space<hbm>>
    %dma_start3A_95 = arith.constant 0 : i32
    %dma_start3A_96 = tpu.memref_slice %arg3[%add3A_92, %dma_start3A_95] : memref<16384x64xf32, #tpu.memory_space<hbm>> -> memref<128x64xf32, #tpu.memory_space<hbm>>
    tpu.enqueue_dma source(%dma_start3A_96 : memref<128x64xf32, #tpu.memory_space<hbm>>) target(%arg11 : memref<128x64xf32, #tpu.memory_space<vmem>>) target_semaphore(%arg15 : memref<!tpu.dma_semaphore, #tpu.memory_space<semaphore_mem>>)
    %dma_start3A_97 = arith.constant 0 : i32
    %dma_start3A_98 = tpu.memref_slice %arg4[%add3A_92, %dma_start3A_97] : memref<16384x64xf32, #tpu.memory_space<hbm>> -> memref<128x64xf32, #tpu.memory_space<hbm>>
    %dma_start3A_99 = arith.constant 0 : i32
    %dma_start3A_100 = tpu.memref_slice %arg4[%add3A_92, %dma_start3A_99] : memref<16384x64xf32, #tpu.memory_space<hbm>> -> memref<128x64xf32, #tpu.memory_space<hbm>>
    tpu.enqueue_dma source(%dma_start3A_100 : memref<128x64xf32, #tpu.memory_space<hbm>>) target(%arg12 : memref<128x64xf32, #tpu.memory_space<vmem>>) target_semaphore(%arg16 : memref<!tpu.dma_semaphore, #tpu.memory_space<semaphore_mem>>)
    %dma_start3A_101 = arith.constant 0 : i32
    %dma_start3A_102 = arith.constant 0 : i32
    %dma_start3A_103 = tpu.memref_slice %arg5[%dma_start3A_101, %dma_start3A_102] : memref<1024x128xf32, #tpu.memory_space<hbm>> -> memref<1024x128xf32, #tpu.memory_space<hbm>>
    tpu.enqueue_indirect_dma source(%dma_start3A_103 : memref<1024x128xf32, #tpu.memory_space<hbm>>) target(%arg9 : memref<128x128xf32, #tpu.memory_space<vmem>>) offsets(%arg8 : memref<128xi32, #tpu.memory_space<vmem>>) semaphore(%arg14 : memref<!tpu.dma_semaphore, #tpu.memory_space<semaphore_mem>>)
    %dma_start3A_104 = arith.constant 0 : i32
    %dma_start3A_105 = arith.constant 0 : i32
    %dma_start3A_106 = tpu.memref_slice %arg6[%dma_start3A_104, %dma_start3A_105] : memref<1024x128xf32, #tpu.memory_space<hbm>> -> memref<1024x128xf32, #tpu.memory_space<hbm>>
    tpu.enqueue_indirect_dma source(%dma_start3A_106 : memref<1024x128xf32, #tpu.memory_space<hbm>>) target(%arg10 : memref<128x128xf32, #tpu.memory_space<vmem>>) offsets(%arg8 : memref<128xi32, #tpu.memory_space<vmem>>) semaphore(%arg17 : memref<!tpu.dma_semaphore, #tpu.memory_space<semaphore_mem>>)
    %dma_wait3A_107 = arith.constant 0 : i32
    %dma_wait3A_108 = tpu.memref_slice %arg3[%add3A_92, %dma_wait3A_107] : memref<16384x64xf32, #tpu.memory_space<hbm>> -> memref<128x64xf32, #tpu.memory_space<hbm>>
    %dma_wait3A_109 = arith.constant 0 : i32
    %dma_wait3A_110 = tpu.memref_slice %arg3[%add3A_92, %dma_wait3A_109] : memref<16384x64xf32, #tpu.memory_space<hbm>> -> memref<128x64xf32, #tpu.memory_space<hbm>>
    tpu.wait_dma2 semaphore(%arg15 : memref<!tpu.dma_semaphore, #tpu.memory_space<semaphore_mem>>) src(%dma_wait3A_110 : memref<128x64xf32, #tpu.memory_space<hbm>>) dst(%arg11 : memref<128x64xf32, #tpu.memory_space<vmem>>)
    %dma_wait3A_111 = arith.constant 0 : i32
    %dma_wait3A_112 = tpu.memref_slice %arg4[%add3A_92, %dma_wait3A_111] : memref<16384x64xf32, #tpu.memory_space<hbm>> -> memref<128x64xf32, #tpu.memory_space<hbm>>
    %dma_wait3A_113 = arith.constant 0 : i32
    %dma_wait3A_114 = tpu.memref_slice %arg4[%add3A_92, %dma_wait3A_113] : memref<16384x64xf32, #tpu.memory_space<hbm>> -> memref<128x64xf32, #tpu.memory_space<hbm>>
    tpu.wait_dma2 semaphore(%arg16 : memref<!tpu.dma_semaphore, #tpu.memory_space<semaphore_mem>>) src(%dma_wait3A_114 : memref<128x64xf32, #tpu.memory_space<hbm>>) dst(%arg12 : memref<128x64xf32, #tpu.memory_space<vmem>>)
    %dma_wait3A_115 = arith.constant 0 : i32
    %dma_wait3A_116 = arith.constant 0 : i32
    %dma_wait3A_117 = tpu.memref_slice %arg5[%dma_wait3A_115, %dma_wait3A_116] : memref<1024x128xf32, #tpu.memory_space<hbm>> -> memref<1024x128xf32, #tpu.memory_space<hbm>>
    tpu.wait_indirect_dma semaphore(%arg14 : memref<!tpu.dma_semaphore, #tpu.memory_space<semaphore_mem>>) src(%dma_wait3A_117 : memref<1024x128xf32, #tpu.memory_space<hbm>>) dst(%arg9 : memref<128x128xf32, #tpu.memory_space<vmem>>)
    %dma_wait3A_118 = arith.constant 0 : i32
    %dma_wait3A_119 = arith.constant 0 : i32
    %dma_wait3A_120 = tpu.memref_slice %arg6[%dma_wait3A_118, %dma_wait3A_119] : memref<1024x128xf32, #tpu.memory_space<hbm>> -> memref<1024x128xf32, #tpu.memory_space<hbm>>
    tpu.wait_indirect_dma semaphore(%arg17 : memref<!tpu.dma_semaphore, #tpu.memory_space<semaphore_mem>>) src(%dma_wait3A_120 : memref<1024x128xf32, #tpu.memory_space<hbm>>) dst(%arg10 : memref<128x128xf32, #tpu.memory_space<vmem>>)
    %get3A_121 = arith.constant 0 : index
    %get3A_122 = tpu.vector_load %arg13[%get3A_121] {strides = array<i32>} : memref<16xf32, #tpu.memory_space<vmem>>, vector<16xf32>,
    %get3A_123 = vector.shape_cast %get3A_122 : vector<16xf32> to vector<16xf32>
    %scan3A_124 = arith.constant 0 : i32
    %scan3A_125 = arith.constant 128 : i32
    %scan3A_126 = arith.addi %scan3A_124, %scan3A_125 : i32
    %scan3A_127 = arith.constant 1 : i32
    %scan3A_128 = scf.for %scan3A_177 = %scan3A_124 to %scan3A_126 step %scan3A_127 iter_args(%scan3A_178 = %get3A_123) -> (vector<16xf32>)  : i32 {
      %get3A_179 = arith.index_cast %scan3A_177 : i32 to index
      %get3A_180 = arith.constant 0 : index
      %get3A_181 = tpu.vector_load %arg9[%get3A_179, %get3A_180] {strides = array<i32>} : memref<128x128xf32, #tpu.memory_space<vmem>>, vector<1x16xf32>,
      %get3A_182 = vector.shape_cast %get3A_181 : vector<1x16xf32> to vector<16xf32>
      %get3A_183 = arith.index_cast %scan3A_177 : i32 to index
      %get3A_184 = arith.constant 0 : index
      %get3A_185 = tpu.vector_load %arg10[%get3A_183, %get3A_184] {strides = array<i32>} : memref<128x128xf32, #tpu.memory_space<vmem>>, vector<1x16xf32>,
      %get3A_186 = vector.shape_cast %get3A_185 : vector<1x16xf32> to vector<16xf32>
      %add3A_187 = arith.addf %get3A_182, %get3A_186 : vector<16xf32>
      %gt3A = arith.constant 0.000000e+00 : f32
      %gt3A_188 = vector.broadcast %gt3A : f32 to vector<16xf32>
      %gt3A_189 = arith.cmpf ogt, %add3A_187, %gt3A_188 : vector<16xf32>
      %lt3A = arith.constant 0.000000e+00 : f32
      %lt3A_190 = vector.broadcast %lt3A : f32 to vector<16xf32>
      %lt3A_191 = arith.cmpf olt, %add3A_187, %lt3A_190 : vector<16xf32>
      %neg3A = arith.constant 0.000000e+00 : f32
      %neg3A_192 = vector.broadcast %neg3A : f32 to vector<16xf32>
      %neg3A_193 = arith.subf %neg3A_192, %broadcast_in_dim3A_3 : vector<16xf32>
      %get3A_194 = arith.index_cast %scan3A_177 : i32 to index
      %get3A_195 = arith.constant 0 : index
      %get3A_196 = tpu.vector_load %arg12[%get3A_194, %get3A_195] {strides = array<i32>} : memref<128x64xf32, #tpu.memory_space<vmem>>, vector<1x16xf32>,
      %get3A_197 = vector.shape_cast %get3A_196 : vector<1x16xf32> to vector<16xf32>
      %select_n3A = arith.select %lt3A_191, %neg3A_193, %get3A_197 : vector<16xi1>, vector<16xf32>
      %select_n3A_198 = arith.select %gt3A_189, %broadcast_in_dim3A_3, %select_n3A : vector<16xi1>, vector<16xf32>
      %get3A_199 = arith.index_cast %scan3A_177 : i32 to index
      %get3A_200 = arith.constant 0 : index
      %get3A_201 = tpu.vector_load %arg11[%get3A_199, %get3A_200] {strides = array<i32>} : memref<128x64xf32, #tpu.memory_space<vmem>>, vector<1x16xf32>,
      %get3A_202 = vector.shape_cast %get3A_201 : vector<1x16xf32> to vector<16xf32>
      %sub3A = arith.subf %get3A_202, %select_n3A_198 : vector<16xf32>
      %mul3A_203 = arith.mulf %sub3A, %sub3A : vector<16xf32>
      %add3A_204 = arith.addf %scan3A_178, %mul3A_203 : vector<16xf32>
      %get3A_205 = arith.index_cast %scan3A_177 : i32 to index
      %get3A_206 = arith.constant 16 : index
      %get3A_207 = tpu.vector_load %arg9[%get3A_205, %get3A_206] {strides = array<i32>} : memref<128x128xf32, #tpu.memory_space<vmem>>, vector<1x16xf32>,
      %get3A_208 = vector.shape_cast %get3A_207 : vector<1x16xf32> to vector<16xf32>
      %get3A_209 = arith.index_cast %scan3A_177 : i32 to index
      %get3A_210 = arith.constant 16 : index
      %get3A_211 = tpu.vector_load %arg10[%get3A_209, %get3A_210] {strides = array<i32>} : memref<128x128xf32, #tpu.memory_space<vmem>>, vector<1x16xf32>,
      %get3A_212 = vector.shape_cast %get3A_211 : vector<1x16xf32> to vector<16xf32>
      %add3A_213 = arith.addf %get3A_208, %get3A_212 : vector<16xf32>
      %gt3A_214 = arith.constant 0.000000e+00 : f32
      %gt3A_215 = vector.broadcast %gt3A_214 : f32 to vector<16xf32>
      %gt3A_216 = arith.cmpf ogt, %add3A_213, %gt3A_215 : vector<16xf32>
      %lt3A_217 = arith.constant 0.000000e+00 : f32
      %lt3A_218 = vector.broadcast %lt3A_217 : f32 to vector<16xf32>
      %lt3A_219 = arith.cmpf olt, %add3A_213, %lt3A_218 : vector<16xf32>
      %neg3A_220 = arith.constant 0.000000e+00 : f32
      %neg3A_221 = vector.broadcast %neg3A_220 : f32 to vector<16xf32>
      %neg3A_222 = arith.subf %neg3A_221, %broadcast_in_dim3A_3 : vector<16xf32>
      %get3A_223 = arith.index_cast %scan3A_177 : i32 to index
      %get3A_224 = arith.constant 16 : index
      %get3A_225 = tpu.vector_load %arg12[%get3A_223, %get3A_224] {strides = array<i32>} : memref<128x64xf32, #tpu.memory_space<vmem>>, vector<1x16xf32>,
      %get3A_226 = vector.shape_cast %get3A_225 : vector<1x16xf32> to vector<16xf32>
      %select_n3A_227 = arith.select %lt3A_219, %neg3A_222, %get3A_226 : vector<16xi1>, vector<16xf32>
      %select_n3A_228 = arith.select %gt3A_216, %broadcast_in_dim3A_3, %select_n3A_227 : vector<16xi1>, vector<16xf32>
      %get3A_229 = arith.index_cast %scan3A_177 : i32 to index
      %get3A_230 = arith.constant 16 : index
      %get3A_231 = tpu.vector_load %arg11[%get3A_229, %get3A_230] {strides = array<i32>} : memref<128x64xf32, #tpu.memory_space<vmem>>, vector<1x16xf32>,
      %get3A_232 = vector.shape_cast %get3A_231 : vector<1x16xf32> to vector<16xf32>
      %sub3A_233 = arith.subf %get3A_232, %select_n3A_228 : vector<16xf32>
      %mul3A_234 = arith.mulf %sub3A_233, %sub3A_233 : vector<16xf32>
      %add3A_235 = arith.addf %add3A_204, %mul3A_234 : vector<16xf32>
      %get3A_236 = arith.index_cast %scan3A_177 : i32 to index
      %get3A_237 = arith.constant 32 : index
      %get3A_238 = tpu.vector_load %arg9[%get3A_236, %get3A_237] {strides = array<i32>} : memref<128x128xf32, #tpu.memory_space<vmem>>, vector<1x16xf32>,
      %get3A_239 = vector.shape_cast %get3A_238 : vector<1x16xf32> to vector<16xf32>
      %get3A_240 = arith.index_cast %scan3A_177 : i32 to index
      %get3A_241 = arith.constant 32 : index
      %get3A_242 = tpu.vector_load %arg10[%get3A_240, %get3A_241] {strides = array<i32>} : memref<128x128xf32, #tpu.memory_space<vmem>>, vector<1x16xf32>,
      %get3A_243 = vector.shape_cast %get3A_242 : vector<1x16xf32> to vector<16xf32>
      %add3A_244 = arith.addf %get3A_239, %get3A_243 : vector<16xf32>
      %gt3A_245 = arith.constant 0.000000e+00 : f32
      %gt3A_246 = vector.broadcast %gt3A_245 : f32 to vector<16xf32>
      %gt3A_247 = arith.cmpf ogt, %add3A_244, %gt3A_246 : vector<16xf32>
      %lt3A_248 = arith.constant 0.000000e+00 : f32
      %lt3A_249 = vector.broadcast %lt3A_248 : f32 to vector<16xf32>
      %lt3A_250 = arith.cmpf olt, %add3A_244, %lt3A_249 : vector<16xf32>
      %neg3A_251 = arith.constant 0.000000e+00 : f32
      %neg3A_252 = vector.broadcast %neg3A_251 : f32 to vector<16xf32>
      %neg3A_253 = arith.subf %neg3A_252, %broadcast_in_dim3A_3 : vector<16xf32>
      %get3A_254 = arith.index_cast %scan3A_177 : i32 to index
      %get3A_255 = arith.constant 32 : index
      %get3A_256 = tpu.vector_load %arg12[%get3A_254, %get3A_255] {strides = array<i32>} : memref<128x64xf32, #tpu.memory_space<vmem>>, vector<1x16xf32>,
      %get3A_257 = vector.shape_cast %get3A_256 : vector<1x16xf32> to vector<16xf32>
      %select_n3A_258 = arith.select %lt3A_250, %neg3A_253, %get3A_257 : vector<16xi1>, vector<16xf32>
      %select_n3A_259 = arith.select %gt3A_247, %broadcast_in_dim3A_3, %select_n3A_258 : vector<16xi1>, vector<16xf32>
      %get3A_260 = arith.index_cast %scan3A_177 : i32 to index
      %get3A_261 = arith.constant 32 : index
      %get3A_262 = tpu.vector_load %arg11[%get3A_260, %get3A_261] {strides = array<i32>} : memref<128x64xf32, #tpu.memory_space<vmem>>, vector<1x16xf32>,
      %get3A_263 = vector.shape_cast %get3A_262 : vector<1x16xf32> to vector<16xf32>
      %sub3A_264 = arith.subf %get3A_263, %select_n3A_259 : vector<16xf32>
      %mul3A_265 = arith.mulf %sub3A_264, %sub3A_264 : vector<16xf32>
      %add3A_266 = arith.addf %add3A_235, %mul3A_265 : vector<16xf32>
      %get3A_267 = arith.index_cast %scan3A_177 : i32 to index
      %get3A_268 = arith.constant 48 : index
      %get3A_269 = tpu.vector_load %arg9[%get3A_267, %get3A_268] {strides = array<i32>} : memref<128x128xf32, #tpu.memory_space<vmem>>, vector<1x16xf32>,
      %get3A_270 = vector.shape_cast %get3A_269 : vector<1x16xf32> to vector<16xf32>
      %get3A_271 = arith.index_cast %scan3A_177 : i32 to index
      %get3A_272 = arith.constant 48 : index
      %get3A_273 = tpu.vector_load %arg10[%get3A_271, %get3A_272] {strides = array<i32>} : memref<128x128xf32, #tpu.memory_space<vmem>>, vector<1x16xf32>,
      %get3A_274 = vector.shape_cast %get3A_273 : vector<1x16xf32> to vector<16xf32>
      %add3A_275 = arith.addf %get3A_270, %get3A_274 : vector<16xf32>
      %gt3A_276 = arith.constant 0.000000e+00 : f32
      %gt3A_277 = vector.broadcast %gt3A_276 : f32 to vector<16xf32>
      %gt3A_278 = arith.cmpf ogt, %add3A_275, %gt3A_277 : vector<16xf32>
      %lt3A_279 = arith.constant 0.000000e+00 : f32
      %lt3A_280 = vector.broadcast %lt3A_279 : f32 to vector<16xf32>
      %lt3A_281 = arith.cmpf olt, %add3A_275, %lt3A_280 : vector<16xf32>
      %neg3A_282 = arith.constant 0.000000e+00 : f32
      %neg3A_283 = vector.broadcast %neg3A_282 : f32 to vector<16xf32>
      %neg3A_284 = arith.subf %neg3A_283, %broadcast_in_dim3A_3 : vector<16xf32>
      %get3A_285 = arith.index_cast %scan3A_177 : i32 to index
      %get3A_286 = arith.constant 48 : index
      %get3A_287 = tpu.vector_load %arg12[%get3A_285, %get3A_286] {strides = array<i32>} : memref<128x64xf32, #tpu.memory_space<vmem>>, vector<1x16xf32>,
      %get3A_288 = vector.shape_cast %get3A_287 : vector<1x16xf32> to vector<16xf32>
      %select_n3A_289 = arith.select %lt3A_281, %neg3A_284, %get3A_288 : vector<16xi1>, vector<16xf32>
      %select_n3A_290 = arith.select %gt3A_278, %broadcast_in_dim3A_3, %select_n3A_289 : vector<16xi1>, vector<16xf32>
      %get3A_291 = arith.index_cast %scan3A_177 : i32 to index
      %get3A_292 = arith.constant 48 : index
      %get3A_293 = tpu.vector_load %arg11[%get3A_291, %get3A_292] {strides = array<i32>} : memref<128x64xf32, #tpu.memory_space<vmem>>, vector<1x16xf32>,
      %get3A_294 = vector.shape_cast %get3A_293 : vector<1x16xf32> to vector<16xf32>
      %sub3A_295 = arith.subf %get3A_294, %select_n3A_290 : vector<16xf32>
      %mul3A_296 = arith.mulf %sub3A_295, %sub3A_295 : vector<16xf32>
      %add3A_297 = arith.addf %add3A_266, %mul3A_296 : vector<16xf32>
      scf.yield %add3A_297 : vector<16xf32>
    }
    %scan3A_129 = arith.constant 128 : i32
    %swap3A_130 = arith.constant 0 : index
    %swap3A_131 = tpu.vector_load %arg13[%swap3A_130] {strides = array<i32>} : memref<16xf32, #tpu.memory_space<vmem>>, vector<16xf32>,
    %swap3A_132 = vector.shape_cast %swap3A_131 : vector<16xf32> to vector<16xf32>
    %swap3A_133 = vector.shape_cast %scan3A_128 : vector<16xf32> to vector<16xf32>
    tpu.vector_store %arg13[%swap3A_130], %swap3A_133 {strides = array<i32>} : memref<16xf32, #tpu.memory_space<vmem>>, vector<16xf32>,
    %add3A_134 = arith.constant 384 : i32
    %add3A_135 = arith.addi %mul3A_2, %add3A_134 : i32
    "tpu.region"() ({
      %run_scoped3A = tpu.sem_alloc : memref<!tpu.dma_semaphore, #tpu.memory_space<semaphore_mem>>
      %dma_start3A_177 = tpu.memref_slice %arg2[%add3A_135] : memref<16384xi32, #tpu.memory_space<hbm>> -> memref<128xi32, #tpu.memory_space<hbm>>
      %dma_start3A_178 = tpu.memref_slice %arg2[%add3A_135] : memref<16384xi32, #tpu.memory_space<hbm>> -> memref<128xi32, #tpu.memory_space<hbm>>
      tpu.enqueue_dma source(%dma_start3A_178 : memref<128xi32, #tpu.memory_space<hbm>>) target(%arg8 : memref<128xi32, #tpu.memory_space<vmem>>) target_semaphore(%run_scoped3A : memref<!tpu.dma_semaphore, #tpu.memory_space<semaphore_mem>>)
      %dma_wait3A_179 = tpu.memref_slice %arg2[%add3A_135] : memref<16384xi32, #tpu.memory_space<hbm>> -> memref<128xi32, #tpu.memory_space<hbm>>
      %dma_wait3A_180 = tpu.memref_slice %arg2[%add3A_135] : memref<16384xi32, #tpu.memory_space<hbm>> -> memref<128xi32, #tpu.memory_space<hbm>>
      tpu.wait_dma2 semaphore(%run_scoped3A : memref<!tpu.dma_semaphore, #tpu.memory_space<semaphore_mem>>) src(%dma_wait3A_180 : memref<128xi32, #tpu.memory_space<hbm>>) dst(%arg8 : memref<128xi32, #tpu.memory_space<vmem>>)
      tpu.yield
    }) : () -> ()
    %dma_start3A_136 = arith.constant 0 : i32
    %dma_start3A_137 = tpu.memref_slice %arg3[%add3A_135, %dma_start3A_136] : memref<16384x64xf32, #tpu.memory_space<hbm>> -> memref<128x64xf32, #tpu.memory_space<hbm>>
    %dma_start3A_138 = arith.constant 0 : i32
    %dma_start3A_139 = tpu.memref_slice %arg3[%add3A_135, %dma_start3A_138] : memref<16384x64xf32, #tpu.memory_space<hbm>> -> memref<128x64xf32, #tpu.memory_space<hbm>>
    tpu.enqueue_dma source(%dma_start3A_139 : memref<128x64xf32, #tpu.memory_space<hbm>>) target(%arg11 : memref<128x64xf32, #tpu.memory_space<vmem>>) target_semaphore(%arg15 : memref<!tpu.dma_semaphore, #tpu.memory_space<semaphore_mem>>)
    %dma_start3A_140 = arith.constant 0 : i32
    %dma_start3A_141 = tpu.memref_slice %arg4[%add3A_135, %dma_start3A_140] : memref<16384x64xf32, #tpu.memory_space<hbm>> -> memref<128x64xf32, #tpu.memory_space<hbm>>
    %dma_start3A_142 = arith.constant 0 : i32
    %dma_start3A_143 = tpu.memref_slice %arg4[%add3A_135, %dma_start3A_142] : memref<16384x64xf32, #tpu.memory_space<hbm>> -> memref<128x64xf32, #tpu.memory_space<hbm>>
    tpu.enqueue_dma source(%dma_start3A_143 : memref<128x64xf32, #tpu.memory_space<hbm>>) target(%arg12 : memref<128x64xf32, #tpu.memory_space<vmem>>) target_semaphore(%arg16 : memref<!tpu.dma_semaphore, #tpu.memory_space<semaphore_mem>>)
    %dma_start3A_144 = arith.constant 0 : i32
    %dma_start3A_145 = arith.constant 0 : i32
    %dma_start3A_146 = tpu.memref_slice %arg5[%dma_start3A_144, %dma_start3A_145] : memref<1024x128xf32, #tpu.memory_space<hbm>> -> memref<1024x128xf32, #tpu.memory_space<hbm>>
    tpu.enqueue_indirect_dma source(%dma_start3A_146 : memref<1024x128xf32, #tpu.memory_space<hbm>>) target(%arg9 : memref<128x128xf32, #tpu.memory_space<vmem>>) offsets(%arg8 : memref<128xi32, #tpu.memory_space<vmem>>) semaphore(%arg14 : memref<!tpu.dma_semaphore, #tpu.memory_space<semaphore_mem>>)
    %dma_start3A_147 = arith.constant 0 : i32
    %dma_start3A_148 = arith.constant 0 : i32
    %dma_start3A_149 = tpu.memref_slice %arg6[%dma_start3A_147, %dma_start3A_148] : memref<1024x128xf32, #tpu.memory_space<hbm>> -> memref<1024x128xf32, #tpu.memory_space<hbm>>
    tpu.enqueue_indirect_dma source(%dma_start3A_149 : memref<1024x128xf32, #tpu.memory_space<hbm>>) target(%arg10 : memref<128x128xf32, #tpu.memory_space<vmem>>) offsets(%arg8 : memref<128xi32, #tpu.memory_space<vmem>>) semaphore(%arg17 : memref<!tpu.dma_semaphore, #tpu.memory_space<semaphore_mem>>)
    %dma_wait3A_150 = arith.constant 0 : i32
    %dma_wait3A_151 = tpu.memref_slice %arg3[%add3A_135, %dma_wait3A_150] : memref<16384x64xf32, #tpu.memory_space<hbm>> -> memref<128x64xf32, #tpu.memory_space<hbm>>
    %dma_wait3A_152 = arith.constant 0 : i32
    %dma_wait3A_153 = tpu.memref_slice %arg3[%add3A_135, %dma_wait3A_152] : memref<16384x64xf32, #tpu.memory_space<hbm>> -> memref<128x64xf32, #tpu.memory_space<hbm>>
    tpu.wait_dma2 semaphore(%arg15 : memref<!tpu.dma_semaphore, #tpu.memory_space<semaphore_mem>>) src(%dma_wait3A_153 : memref<128x64xf32, #tpu.memory_space<hbm>>) dst(%arg11 : memref<128x64xf32, #tpu.memory_space<vmem>>)
    %dma_wait3A_154 = arith.constant 0 : i32
    %dma_wait3A_155 = tpu.memref_slice %arg4[%add3A_135, %dma_wait3A_154] : memref<16384x64xf32, #tpu.memory_space<hbm>> -> memref<128x64xf32, #tpu.memory_space<hbm>>
    %dma_wait3A_156 = arith.constant 0 : i32
    %dma_wait3A_157 = tpu.memref_slice %arg4[%add3A_135, %dma_wait3A_156] : memref<16384x64xf32, #tpu.memory_space<hbm>> -> memref<128x64xf32, #tpu.memory_space<hbm>>
    tpu.wait_dma2 semaphore(%arg16 : memref<!tpu.dma_semaphore, #tpu.memory_space<semaphore_mem>>) src(%dma_wait3A_157 : memref<128x64xf32, #tpu.memory_space<hbm>>) dst(%arg12 : memref<128x64xf32, #tpu.memory_space<vmem>>)
    %dma_wait3A_158 = arith.constant 0 : i32
    %dma_wait3A_159 = arith.constant 0 : i32
    %dma_wait3A_160 = tpu.memref_slice %arg5[%dma_wait3A_158, %dma_wait3A_159] : memref<1024x128xf32, #tpu.memory_space<hbm>> -> memref<1024x128xf32, #tpu.memory_space<hbm>>
    tpu.wait_indirect_dma semaphore(%arg14 : memref<!tpu.dma_semaphore, #tpu.memory_space<semaphore_mem>>) src(%dma_wait3A_160 : memref<1024x128xf32, #tpu.memory_space<hbm>>) dst(%arg9 : memref<128x128xf32, #tpu.memory_space<vmem>>)
    %dma_wait3A_161 = arith.constant 0 : i32
    %dma_wait3A_162 = arith.constant 0 : i32
    %dma_wait3A_163 = tpu.memref_slice %arg6[%dma_wait3A_161, %dma_wait3A_162] : memref<1024x128xf32, #tpu.memory_space<hbm>> -> memref<1024x128xf32, #tpu.memory_space<hbm>>
    tpu.wait_indirect_dma semaphore(%arg17 : memref<!tpu.dma_semaphore, #tpu.memory_space<semaphore_mem>>) src(%dma_wait3A_163 : memref<1024x128xf32, #tpu.memory_space<hbm>>) dst(%arg10 : memref<128x128xf32, #tpu.memory_space<vmem>>)
    %get3A_164 = arith.constant 0 : index
    %get3A_165 = tpu.vector_load %arg13[%get3A_164] {strides = array<i32>} : memref<16xf32, #tpu.memory_space<vmem>>, vector<16xf32>,
    %get3A_166 = vector.shape_cast %get3A_165 : vector<16xf32> to vector<16xf32>
    %scan3A_167 = arith.constant 0 : i32
    %scan3A_168 = arith.constant 128 : i32
    %scan3A_169 = arith.addi %scan3A_167, %scan3A_168 : i32
    %scan3A_170 = arith.constant 1 : i32
    %scan3A_171 = scf.for %scan3A_177 = %scan3A_167 to %scan3A_169 step %scan3A_170 iter_args(%scan3A_178 = %get3A_166) -> (vector<16xf32>)  : i32 {
      %get3A_179 = arith.index_cast %scan3A_177 : i32 to index
      %get3A_180 = arith.constant 0 : index
      %get3A_181 = tpu.vector_load %arg9[%get3A_179, %get3A_180] {strides = array<i32>} : memref<128x128xf32, #tpu.memory_space<vmem>>, vector<1x16xf32>,
      %get3A_182 = vector.shape_cast %get3A_181 : vector<1x16xf32> to vector<16xf32>
      %get3A_183 = arith.index_cast %scan3A_177 : i32 to index
      %get3A_184 = arith.constant 0 : index
      %get3A_185 = tpu.vector_load %arg10[%get3A_183, %get3A_184] {strides = array<i32>} : memref<128x128xf32, #tpu.memory_space<vmem>>, vector<1x16xf32>,
      %get3A_186 = vector.shape_cast %get3A_185 : vector<1x16xf32> to vector<16xf32>
      %add3A_187 = arith.addf %get3A_182, %get3A_186 : vector<16xf32>
      %gt3A = arith.constant 0.000000e+00 : f32
      %gt3A_188 = vector.broadcast %gt3A : f32 to vector<16xf32>
      %gt3A_189 = arith.cmpf ogt, %add3A_187, %gt3A_188 : vector<16xf32>
      %lt3A = arith.constant 0.000000e+00 : f32
      %lt3A_190 = vector.broadcast %lt3A : f32 to vector<16xf32>
      %lt3A_191 = arith.cmpf olt, %add3A_187, %lt3A_190 : vector<16xf32>
      %neg3A = arith.constant 0.000000e+00 : f32
      %neg3A_192 = vector.broadcast %neg3A : f32 to vector<16xf32>
      %neg3A_193 = arith.subf %neg3A_192, %broadcast_in_dim3A_3 : vector<16xf32>
      %get3A_194 = arith.index_cast %scan3A_177 : i32 to index
      %get3A_195 = arith.constant 0 : index
      %get3A_196 = tpu.vector_load %arg12[%get3A_194, %get3A_195] {strides = array<i32>} : memref<128x64xf32, #tpu.memory_space<vmem>>, vector<1x16xf32>,
      %get3A_197 = vector.shape_cast %get3A_196 : vector<1x16xf32> to vector<16xf32>
      %select_n3A = arith.select %lt3A_191, %neg3A_193, %get3A_197 : vector<16xi1>, vector<16xf32>
      %select_n3A_198 = arith.select %gt3A_189, %broadcast_in_dim3A_3, %select_n3A : vector<16xi1>, vector<16xf32>
      %get3A_199 = arith.index_cast %scan3A_177 : i32 to index
      %get3A_200 = arith.constant 0 : index
      %get3A_201 = tpu.vector_load %arg11[%get3A_199, %get3A_200] {strides = array<i32>} : memref<128x64xf32, #tpu.memory_space<vmem>>, vector<1x16xf32>,
      %get3A_202 = vector.shape_cast %get3A_201 : vector<1x16xf32> to vector<16xf32>
      %sub3A = arith.subf %get3A_202, %select_n3A_198 : vector<16xf32>
      %mul3A_203 = arith.mulf %sub3A, %sub3A : vector<16xf32>
      %add3A_204 = arith.addf %scan3A_178, %mul3A_203 : vector<16xf32>
      %get3A_205 = arith.index_cast %scan3A_177 : i32 to index
      %get3A_206 = arith.constant 16 : index
      %get3A_207 = tpu.vector_load %arg9[%get3A_205, %get3A_206] {strides = array<i32>} : memref<128x128xf32, #tpu.memory_space<vmem>>, vector<1x16xf32>,
      %get3A_208 = vector.shape_cast %get3A_207 : vector<1x16xf32> to vector<16xf32>
      %get3A_209 = arith.index_cast %scan3A_177 : i32 to index
      %get3A_210 = arith.constant 16 : index
      %get3A_211 = tpu.vector_load %arg10[%get3A_209, %get3A_210] {strides = array<i32>} : memref<128x128xf32, #tpu.memory_space<vmem>>, vector<1x16xf32>,
      %get3A_212 = vector.shape_cast %get3A_211 : vector<1x16xf32> to vector<16xf32>
      %add3A_213 = arith.addf %get3A_208, %get3A_212 : vector<16xf32>
      %gt3A_214 = arith.constant 0.000000e+00 : f32
      %gt3A_215 = vector.broadcast %gt3A_214 : f32 to vector<16xf32>
      %gt3A_216 = arith.cmpf ogt, %add3A_213, %gt3A_215 : vector<16xf32>
      %lt3A_217 = arith.constant 0.000000e+00 : f32
      %lt3A_218 = vector.broadcast %lt3A_217 : f32 to vector<16xf32>
      %lt3A_219 = arith.cmpf olt, %add3A_213, %lt3A_218 : vector<16xf32>
      %neg3A_220 = arith.constant 0.000000e+00 : f32
      %neg3A_221 = vector.broadcast %neg3A_220 : f32 to vector<16xf32>
      %neg3A_222 = arith.subf %neg3A_221, %broadcast_in_dim3A_3 : vector<16xf32>
      %get3A_223 = arith.index_cast %scan3A_177 : i32 to index
      %get3A_224 = arith.constant 16 : index
      %get3A_225 = tpu.vector_load %arg12[%get3A_223, %get3A_224] {strides = array<i32>} : memref<128x64xf32, #tpu.memory_space<vmem>>, vector<1x16xf32>,
      %get3A_226 = vector.shape_cast %get3A_225 : vector<1x16xf32> to vector<16xf32>
      %select_n3A_227 = arith.select %lt3A_219, %neg3A_222, %get3A_226 : vector<16xi1>, vector<16xf32>
      %select_n3A_228 = arith.select %gt3A_216, %broadcast_in_dim3A_3, %select_n3A_227 : vector<16xi1>, vector<16xf32>
      %get3A_229 = arith.index_cast %scan3A_177 : i32 to index
      %get3A_230 = arith.constant 16 : index
      %get3A_231 = tpu.vector_load %arg11[%get3A_229, %get3A_230] {strides = array<i32>} : memref<128x64xf32, #tpu.memory_space<vmem>>, vector<1x16xf32>,
      %get3A_232 = vector.shape_cast %get3A_231 : vector<1x16xf32> to vector<16xf32>
      %sub3A_233 = arith.subf %get3A_232, %select_n3A_228 : vector<16xf32>
      %mul3A_234 = arith.mulf %sub3A_233, %sub3A_233 : vector<16xf32>
      %add3A_235 = arith.addf %add3A_204, %mul3A_234 : vector<16xf32>
      %get3A_236 = arith.index_cast %scan3A_177 : i32 to index
      %get3A_237 = arith.constant 32 : index
      %get3A_238 = tpu.vector_load %arg9[%get3A_236, %get3A_237] {strides = array<i32>} : memref<128x128xf32, #tpu.memory_space<vmem>>, vector<1x16xf32>,
      %get3A_239 = vector.shape_cast %get3A_238 : vector<1x16xf32> to vector<16xf32>
      %get3A_240 = arith.index_cast %scan3A_177 : i32 to index
      %get3A_241 = arith.constant 32 : index
      %get3A_242 = tpu.vector_load %arg10[%get3A_240, %get3A_241] {strides = array<i32>} : memref<128x128xf32, #tpu.memory_space<vmem>>, vector<1x16xf32>,
      %get3A_243 = vector.shape_cast %get3A_242 : vector<1x16xf32> to vector<16xf32>
      %add3A_244 = arith.addf %get3A_239, %get3A_243 : vector<16xf32>
      %gt3A_245 = arith.constant 0.000000e+00 : f32
      %gt3A_246 = vector.broadcast %gt3A_245 : f32 to vector<16xf32>
      %gt3A_247 = arith.cmpf ogt, %add3A_244, %gt3A_246 : vector<16xf32>
      %lt3A_248 = arith.constant 0.000000e+00 : f32
      %lt3A_249 = vector.broadcast %lt3A_248 : f32 to vector<16xf32>
      %lt3A_250 = arith.cmpf olt, %add3A_244, %lt3A_249 : vector<16xf32>
      %neg3A_251 = arith.constant 0.000000e+00 : f32
      %neg3A_252 = vector.broadcast %neg3A_251 : f32 to vector<16xf32>
      %neg3A_253 = arith.subf %neg3A_252, %broadcast_in_dim3A_3 : vector<16xf32>
      %get3A_254 = arith.index_cast %scan3A_177 : i32 to index
      %get3A_255 = arith.constant 32 : index
      %get3A_256 = tpu.vector_load %arg12[%get3A_254, %get3A_255] {strides = array<i32>} : memref<128x64xf32, #tpu.memory_space<vmem>>, vector<1x16xf32>,
      %get3A_257 = vector.shape_cast %get3A_256 : vector<1x16xf32> to vector<16xf32>
      %select_n3A_258 = arith.select %lt3A_250, %neg3A_253, %get3A_257 : vector<16xi1>, vector<16xf32>
      %select_n3A_259 = arith.select %gt3A_247, %broadcast_in_dim3A_3, %select_n3A_258 : vector<16xi1>, vector<16xf32>
      %get3A_260 = arith.index_cast %scan3A_177 : i32 to index
      %get3A_261 = arith.constant 32 : index
      %get3A_262 = tpu.vector_load %arg11[%get3A_260, %get3A_261] {strides = array<i32>} : memref<128x64xf32, #tpu.memory_space<vmem>>, vector<1x16xf32>,
      %get3A_263 = vector.shape_cast %get3A_262 : vector<1x16xf32> to vector<16xf32>
      %sub3A_264 = arith.subf %get3A_263, %select_n3A_259 : vector<16xf32>
      %mul3A_265 = arith.mulf %sub3A_264, %sub3A_264 : vector<16xf32>
      %add3A_266 = arith.addf %add3A_235, %mul3A_265 : vector<16xf32>
      %get3A_267 = arith.index_cast %scan3A_177 : i32 to index
      %get3A_268 = arith.constant 48 : index
      %get3A_269 = tpu.vector_load %arg9[%get3A_267, %get3A_268] {strides = array<i32>} : memref<128x128xf32, #tpu.memory_space<vmem>>, vector<1x16xf32>,
      %get3A_270 = vector.shape_cast %get3A_269 : vector<1x16xf32> to vector<16xf32>
      %get3A_271 = arith.index_cast %scan3A_177 : i32 to index
      %get3A_272 = arith.constant 48 : index
      %get3A_273 = tpu.vector_load %arg10[%get3A_271, %get3A_272] {strides = array<i32>} : memref<128x128xf32, #tpu.memory_space<vmem>>, vector<1x16xf32>,
      %get3A_274 = vector.shape_cast %get3A_273 : vector<1x16xf32> to vector<16xf32>
      %add3A_275 = arith.addf %get3A_270, %get3A_274 : vector<16xf32>
      %gt3A_276 = arith.constant 0.000000e+00 : f32
      %gt3A_277 = vector.broadcast %gt3A_276 : f32 to vector<16xf32>
      %gt3A_278 = arith.cmpf ogt, %add3A_275, %gt3A_277 : vector<16xf32>
      %lt3A_279 = arith.constant 0.000000e+00 : f32
      %lt3A_280 = vector.broadcast %lt3A_279 : f32 to vector<16xf32>
      %lt3A_281 = arith.cmpf olt, %add3A_275, %lt3A_280 : vector<16xf32>
      %neg3A_282 = arith.constant 0.000000e+00 : f32
      %neg3A_283 = vector.broadcast %neg3A_282 : f32 to vector<16xf32>
      %neg3A_284 = arith.subf %neg3A_283, %broadcast_in_dim3A_3 : vector<16xf32>
      %get3A_285 = arith.index_cast %scan3A_177 : i32 to index
      %get3A_286 = arith.constant 48 : index
      %get3A_287 = tpu.vector_load %arg12[%get3A_285, %get3A_286] {strides = array<i32>} : memref<128x64xf32, #tpu.memory_space<vmem>>, vector<1x16xf32>,
      %get3A_288 = vector.shape_cast %get3A_287 : vector<1x16xf32> to vector<16xf32>
      %select_n3A_289 = arith.select %lt3A_281, %neg3A_284, %get3A_288 : vector<16xi1>, vector<16xf32>
      %select_n3A_290 = arith.select %gt3A_278, %broadcast_in_dim3A_3, %select_n3A_289 : vector<16xi1>, vector<16xf32>
      %get3A_291 = arith.index_cast %scan3A_177 : i32 to index
      %get3A_292 = arith.constant 48 : index
      %get3A_293 = tpu.vector_load %arg11[%get3A_291, %get3A_292] {strides = array<i32>} : memref<128x64xf32, #tpu.memory_space<vmem>>, vector<1x16xf32>,
      %get3A_294 = vector.shape_cast %get3A_293 : vector<1x16xf32> to vector<16xf32>
      %sub3A_295 = arith.subf %get3A_294, %select_n3A_290 : vector<16xf32>
      %mul3A_296 = arith.mulf %sub3A_295, %sub3A_295 : vector<16xf32>
      %add3A_297 = arith.addf %add3A_266, %mul3A_296 : vector<16xf32>
      scf.yield %add3A_297 : vector<16xf32>
    }
    %scan3A_172 = arith.constant 128 : i32
    %swap3A_173 = arith.constant 0 : index
    %swap3A_174 = tpu.vector_load %arg13[%swap3A_173] {strides = array<i32>} : memref<16xf32, #tpu.memory_space<vmem>>, vector<16xf32>,
    %swap3A_175 = vector.shape_cast %swap3A_174 : vector<16xf32> to vector<16xf32>
    %swap3A_176 = vector.shape_cast %scan3A_171 : vector<16xf32> to vector<16xf32>
    tpu.vector_store %arg13[%swap3A_173], %swap3A_176 {strides = array<i32>} : memref<16xf32, #tpu.memory_space<vmem>>, vector<16xf32>,
    "tpu.region"() ({
      %run_scoped3A = tpu.sem_alloc : memref<!tpu.dma_semaphore, #tpu.memory_space<semaphore_mem>>
      %dma_start3A_177 = arith.constant 0 : i32
      %dma_start3A_178 = tpu.memref_slice %arg7[%add3A, %dma_start3A_177] : memref<32x16xf32, #tpu.memory_space<hbm>> -> memref<1x16xf32, #tpu.memory_space<hbm>>
      %dma_start3A_179 = tpu.memref_squeeze %dma_start3A_178 : memref<1x16xf32, #tpu.memory_space<hbm>> -> memref<16xf32, #tpu.memory_space<hbm>>
      %dma_start3A_180 = arith.constant 0 : i32
      %dma_start3A_181 = tpu.memref_slice %arg7[%add3A, %dma_start3A_180] : memref<32x16xf32, #tpu.memory_space<hbm>> -> memref<1x16xf32, #tpu.memory_space<hbm>>
      %dma_start3A_182 = tpu.memref_squeeze %dma_start3A_181 : memref<1x16xf32, #tpu.memory_space<hbm>> -> memref<16xf32, #tpu.memory_space<hbm>>
      tpu.enqueue_dma source(%arg13 : memref<16xf32, #tpu.memory_space<vmem>>) target(%dma_start3A_182 : memref<16xf32, #tpu.memory_space<hbm>>) target_semaphore(%run_scoped3A : memref<!tpu.dma_semaphore, #tpu.memory_space<semaphore_mem>>)
      %dma_wait3A_183 = arith.constant 0 : i32
      %dma_wait3A_184 = tpu.memref_slice %arg7[%add3A, %dma_wait3A_183] : memref<32x16xf32, #tpu.memory_space<hbm>> -> memref<1x16xf32, #tpu.memory_space<hbm>>
      %dma_wait3A_185 = tpu.memref_squeeze %dma_wait3A_184 : memref<1x16xf32, #tpu.memory_space<hbm>> -> memref<16xf32, #tpu.memory_space<hbm>>
      %dma_wait3A_186 = arith.constant 0 : i32
      %dma_wait3A_187 = tpu.memref_slice %arg7[%add3A, %dma_wait3A_186] : memref<32x16xf32, #tpu.memory_space<hbm>> -> memref<1x16xf32, #tpu.memory_space<hbm>>
      %dma_wait3A_188 = tpu.memref_squeeze %dma_wait3A_187 : memref<1x16xf32, #tpu.memory_space<hbm>> -> memref<16xf32, #tpu.memory_space<hbm>>
      tpu.wait_dma2 semaphore(%run_scoped3A : memref<!tpu.dma_semaphore, #tpu.memory_space<semaphore_mem>>) src(%arg13 : memref<16xf32, #tpu.memory_space<vmem>>) dst(%dma_wait3A_188 : memref<16xf32, #tpu.memory_space<hbm>>)
      tpu.yield
    }) : () -> ()
    return
  }
}

#map = affine_map<(d0, d1) -> (0)>
#map1 = affine_map<(d0, d1) -> (0, 0)>
module attributes {stable_mosaic.version = 14 : i64} {
  func.func @k(%arg0: i32, %arg1: i32, %arg2: memref<16384xi32, #tpu.memory_space<hbm>>, %arg3: memref<16384x64xf32, #tpu.memory_space<hbm>>, %arg4: memref<1024x64xf32, #tpu.memory_space<hbm>>, %arg5: memref<1024x128xf32, #tpu.memory_space<hbm>>, %arg6: memref<1024x128xf32, #tpu.memory_space<hbm>>, %arg7: memref<256xi32, #tpu.memory_space<vmem>>, %arg8: memref<256x64xf32, #tpu.memory_space<vmem>>, %arg9: memref<256x128xf32, #tpu.memory_space<vmem>>, %arg10: memref<64x128xf32, #tpu.memory_space<vmem>>, %arg11: memref<64x64xf32, #tpu.memory_space<vmem>>, %arg12: memref<1024x128xf32, #tpu.memory_space<vmem_shared>>) attributes {dimension_semantics = [#tpu.dimension_semantics<core_parallel>, #tpu.dimension_semantics<subcore_parallel>], iteration_bounds = array<i64: 2, 16>, scalar_prefetch = 0 : i64, scratch_operands = 6 : i64, tpu.core_type = #tpu.core_type<sc_vector_subcore>, window_params = [{transform_indices = #map}, {transform_indices = #map1}, {transform_indices = #map1}, {transform_indices = #map1}, {transform_indices = #map1}]} {
    %mul3A = arith.constant 2 : i32
    %mul3A_0 = arith.muli %arg1, %mul3A : i32
    %add3A = arith.addi %mul3A_0, %arg0 : i32
    %mul3A_1 = arith.constant 512 : i32
    %mul3A_2 = arith.muli %add3A, %mul3A_1 : i32
    %broadcast_in_dim3A = arith.constant 0.000000e+00 : f32
    %broadcast_in_dim3A_3 = vector.broadcast %broadcast_in_dim3A : f32 to vector<16xf32>
    %broadcast_in_dim3A_4 = arith.constant 1.000000e+00 : f32
    %broadcast_in_dim3A_5 = vector.broadcast %broadcast_in_dim3A_4 : f32 to vector<16xf32>
    %eq3A = arith.constant 0 : i32
    %eq3A_6 = arith.cmpi eq, %arg0, %eq3A : i32
    %mul3A_7 = arith.constant 64 : i32
    %mul3A_8 = arith.muli %arg1, %mul3A_7 : i32
    "tpu.region"() ({
      %run_scoped3A = tpu.sem_alloc : memref<!tpu.dma_semaphore, #tpu.memory_space<semaphore_mem>>
      %dma_start3A = arith.constant 0 : i32
      %dma_start3A_49 = tpu.memref_slice %arg4[%mul3A_8, %dma_start3A] : memref<1024x64xf32, #tpu.memory_space<hbm>> -> memref<64x64xf32, #tpu.memory_space<hbm>>
      %dma_start3A_50 = arith.constant 0 : i32
      %dma_start3A_51 = tpu.memref_slice %arg4[%mul3A_8, %dma_start3A_50] : memref<1024x64xf32, #tpu.memory_space<hbm>> -> memref<64x64xf32, #tpu.memory_space<hbm>>
      tpu.enqueue_dma source(%dma_start3A_51 : memref<64x64xf32, #tpu.memory_space<hbm>>) target(%arg11 : memref<64x64xf32, #tpu.memory_space<vmem>>) target_semaphore(%run_scoped3A : memref<!tpu.dma_semaphore, #tpu.memory_space<semaphore_mem>>)
      %dma_wait3A = arith.constant 0 : i32
      %dma_wait3A_52 = tpu.memref_slice %arg4[%mul3A_8, %dma_wait3A] : memref<1024x64xf32, #tpu.memory_space<hbm>> -> memref<64x64xf32, #tpu.memory_space<hbm>>
      %dma_wait3A_53 = arith.constant 0 : i32
      %dma_wait3A_54 = tpu.memref_slice %arg4[%mul3A_8, %dma_wait3A_53] : memref<1024x64xf32, #tpu.memory_space<hbm>> -> memref<64x64xf32, #tpu.memory_space<hbm>>
      tpu.wait_dma2 semaphore(%run_scoped3A : memref<!tpu.dma_semaphore, #tpu.memory_space<semaphore_mem>>) src(%dma_wait3A_54 : memref<64x64xf32, #tpu.memory_space<hbm>>) dst(%arg11 : memref<64x64xf32, #tpu.memory_space<vmem>>)
      tpu.yield
    }) : () -> ()
    %scan3A = arith.constant 0 : i32
    %scan3A_9 = arith.constant 0 : i32
    %scan3A_10 = arith.constant 64 : i32
    %scan3A_11 = arith.addi %scan3A_9, %scan3A_10 : i32
    %scan3A_12 = arith.constant 1 : i32
    scf.for %scan3A_49 = %scan3A_9 to %scan3A_11 step %scan3A_12  : i32 {
      %get3A = arith.index_cast %scan3A_49 : i32 to index
      %get3A_50 = arith.constant 0 : index
      %get3A_51 = tpu.vector_load %arg11[%get3A, %get3A_50] {strides = array<i32>} : memref<64x64xf32, #tpu.memory_space<vmem>>, vector<1x16xf32>,
      %get3A_52 = vector.shape_cast %get3A_51 : vector<1x16xf32> to vector<16xf32>
      %select_n3A = arith.select %eq3A_6, %get3A_52, %broadcast_in_dim3A_3 : vector<16xf32>
      %swap3A = arith.index_cast %scan3A_49 : i32 to index
      %swap3A_53 = arith.constant 0 : index
      %swap3A_54 = tpu.vector_load %arg10[%swap3A, %swap3A_53] {strides = array<i32>} : memref<64x128xf32, #tpu.memory_space<vmem>>, vector<1x16xf32>,
      %swap3A_55 = vector.shape_cast %swap3A_54 : vector<1x16xf32> to vector<16xf32>
      %swap3A_56 = vector.shape_cast %select_n3A : vector<16xf32> to vector<1x16xf32>
      tpu.vector_store %arg10[%swap3A, %swap3A_53], %swap3A_56 {strides = array<i32>} : memref<64x128xf32, #tpu.memory_space<vmem>>, vector<1x16xf32>,
      %get3A_57 = arith.index_cast %scan3A_49 : i32 to index
      %get3A_58 = arith.constant 16 : index
      %get3A_59 = tpu.vector_load %arg11[%get3A_57, %get3A_58] {strides = array<i32>} : memref<64x64xf32, #tpu.memory_space<vmem>>, vector<1x16xf32>,
      %get3A_60 = vector.shape_cast %get3A_59 : vector<1x16xf32> to vector<16xf32>
      %select_n3A_61 = arith.select %eq3A_6, %get3A_60, %broadcast_in_dim3A_3 : vector<16xf32>
      %swap3A_62 = arith.index_cast %scan3A_49 : i32 to index
      %swap3A_63 = arith.constant 16 : index
      %swap3A_64 = tpu.vector_load %arg10[%swap3A_62, %swap3A_63] {strides = array<i32>} : memref<64x128xf32, #tpu.memory_space<vmem>>, vector<1x16xf32>,
      %swap3A_65 = vector.shape_cast %swap3A_64 : vector<1x16xf32> to vector<16xf32>
      %swap3A_66 = vector.shape_cast %select_n3A_61 : vector<16xf32> to vector<1x16xf32>
      tpu.vector_store %arg10[%swap3A_62, %swap3A_63], %swap3A_66 {strides = array<i32>} : memref<64x128xf32, #tpu.memory_space<vmem>>, vector<1x16xf32>,
      %get3A_67 = arith.index_cast %scan3A_49 : i32 to index
      %get3A_68 = arith.constant 32 : index
      %get3A_69 = tpu.vector_load %arg11[%get3A_67, %get3A_68] {strides = array<i32>} : memref<64x64xf32, #tpu.memory_space<vmem>>, vector<1x16xf32>,
      %get3A_70 = vector.shape_cast %get3A_69 : vector<1x16xf32> to vector<16xf32>
      %select_n3A_71 = arith.select %eq3A_6, %get3A_70, %broadcast_in_dim3A_3 : vector<16xf32>
      %swap3A_72 = arith.index_cast %scan3A_49 : i32 to index
      %swap3A_73 = arith.constant 32 : index
      %swap3A_74 = tpu.vector_load %arg10[%swap3A_72, %swap3A_73] {strides = array<i32>} : memref<64x128xf32, #tpu.memory_space<vmem>>, vector<1x16xf32>,
      %swap3A_75 = vector.shape_cast %swap3A_74 : vector<1x16xf32> to vector<16xf32>
      %swap3A_76 = vector.shape_cast %select_n3A_71 : vector<16xf32> to vector<1x16xf32>
      tpu.vector_store %arg10[%swap3A_72, %swap3A_73], %swap3A_76 {strides = array<i32>} : memref<64x128xf32, #tpu.memory_space<vmem>>, vector<1x16xf32>,
      %get3A_77 = arith.index_cast %scan3A_49 : i32 to index
      %get3A_78 = arith.constant 48 : index
      %get3A_79 = tpu.vector_load %arg11[%get3A_77, %get3A_78] {strides = array<i32>} : memref<64x64xf32, #tpu.memory_space<vmem>>, vector<1x16xf32>,
      %get3A_80 = vector.shape_cast %get3A_79 : vector<1x16xf32> to vector<16xf32>
      %select_n3A_81 = arith.select %eq3A_6, %get3A_80, %broadcast_in_dim3A_3 : vector<16xf32>
      %swap3A_82 = arith.index_cast %scan3A_49 : i32 to index
      %swap3A_83 = arith.constant 48 : index
      %swap3A_84 = tpu.vector_load %arg10[%swap3A_82, %swap3A_83] {strides = array<i32>} : memref<64x128xf32, #tpu.memory_space<vmem>>, vector<1x16xf32>,
      %swap3A_85 = vector.shape_cast %swap3A_84 : vector<1x16xf32> to vector<16xf32>
      %swap3A_86 = vector.shape_cast %select_n3A_81 : vector<16xf32> to vector<1x16xf32>
      tpu.vector_store %arg10[%swap3A_82, %swap3A_83], %swap3A_86 {strides = array<i32>} : memref<64x128xf32, #tpu.memory_space<vmem>>, vector<1x16xf32>,
      %swap3A_87 = arith.index_cast %scan3A_49 : i32 to index
      %swap3A_88 = arith.constant 64 : index
      %swap3A_89 = tpu.vector_load %arg10[%swap3A_87, %swap3A_88] {strides = array<i32>} : memref<64x128xf32, #tpu.memory_space<vmem>>, vector<1x16xf32>,
      %swap3A_90 = vector.shape_cast %swap3A_89 : vector<1x16xf32> to vector<16xf32>
      %swap3A_91 = vector.shape_cast %broadcast_in_dim3A_3 : vector<16xf32> to vector<1x16xf32>
      tpu.vector_store %arg10[%swap3A_87, %swap3A_88], %swap3A_91 {strides = array<i32>} : memref<64x128xf32, #tpu.memory_space<vmem>>, vector<1x16xf32>,
      %swap3A_92 = arith.index_cast %scan3A_49 : i32 to index
      %swap3A_93 = arith.constant 80 : index
      %swap3A_94 = tpu.vector_load %arg10[%swap3A_92, %swap3A_93] {strides = array<i32>} : memref<64x128xf32, #tpu.memory_space<vmem>>, vector<1x16xf32>,
      %swap3A_95 = vector.shape_cast %swap3A_94 : vector<1x16xf32> to vector<16xf32>
      %swap3A_96 = vector.shape_cast %broadcast_in_dim3A_3 : vector<16xf32> to vector<1x16xf32>
      tpu.vector_store %arg10[%swap3A_92, %swap3A_93], %swap3A_96 {strides = array<i32>} : memref<64x128xf32, #tpu.memory_space<vmem>>, vector<1x16xf32>,
      %swap3A_97 = arith.index_cast %scan3A_49 : i32 to index
      %swap3A_98 = arith.constant 96 : index
      %swap3A_99 = tpu.vector_load %arg10[%swap3A_97, %swap3A_98] {strides = array<i32>} : memref<64x128xf32, #tpu.memory_space<vmem>>, vector<1x16xf32>,
      %swap3A_100 = vector.shape_cast %swap3A_99 : vector<1x16xf32> to vector<16xf32>
      %swap3A_101 = vector.shape_cast %broadcast_in_dim3A_3 : vector<16xf32> to vector<1x16xf32>
      tpu.vector_store %arg10[%swap3A_97, %swap3A_98], %swap3A_101 {strides = array<i32>} : memref<64x128xf32, #tpu.memory_space<vmem>>, vector<1x16xf32>,
      %swap3A_102 = arith.index_cast %scan3A_49 : i32 to index
      %swap3A_103 = arith.constant 112 : index
      %swap3A_104 = tpu.vector_load %arg10[%swap3A_102, %swap3A_103] {strides = array<i32>} : memref<64x128xf32, #tpu.memory_space<vmem>>, vector<1x16xf32>,
      %swap3A_105 = vector.shape_cast %swap3A_104 : vector<1x16xf32> to vector<16xf32>
      %swap3A_106 = vector.shape_cast %broadcast_in_dim3A_3 : vector<16xf32> to vector<1x16xf32>
      tpu.vector_store %arg10[%swap3A_102, %swap3A_103], %swap3A_106 {strides = array<i32>} : memref<64x128xf32, #tpu.memory_space<vmem>>, vector<1x16xf32>,
    }
    %scan3A_13 = arith.constant 64 : i32
    %mul3A_14 = arith.constant 64 : i32
    %mul3A_15 = arith.muli %arg1, %mul3A_14 : i32
    "tpu.region"() ({
      %run_scoped3A = tpu.sem_alloc : memref<!tpu.dma_semaphore, #tpu.memory_space<semaphore_mem>>
      %dma_start3A = arith.constant 0 : i32
      %dma_start3A_49 = tpu.memref_slice %arg12[%mul3A_15, %dma_start3A] : memref<1024x128xf32, #tpu.memory_space<vmem_shared>> -> memref<64x128xf32, #tpu.memory_space<vmem_shared>>
      %dma_start3A_50 = arith.constant 0 : i32
      %dma_start3A_51 = tpu.memref_slice %arg12[%mul3A_15, %dma_start3A_50] : memref<1024x128xf32, #tpu.memory_space<vmem_shared>> -> memref<64x128xf32, #tpu.memory_space<vmem_shared>>
      tpu.enqueue_dma source(%arg10 : memref<64x128xf32, #tpu.memory_space<vmem>>) target(%dma_start3A_51 : memref<64x128xf32, #tpu.memory_space<vmem_shared>>) target_semaphore(%run_scoped3A : memref<!tpu.dma_semaphore, #tpu.memory_space<semaphore_mem>>)
      %dma_wait3A = arith.constant 0 : i32
      %dma_wait3A_52 = tpu.memref_slice %arg12[%mul3A_15, %dma_wait3A] : memref<1024x128xf32, #tpu.memory_space<vmem_shared>> -> memref<64x128xf32, #tpu.memory_space<vmem_shared>>
      %dma_wait3A_53 = arith.constant 0 : i32
      %dma_wait3A_54 = tpu.memref_slice %arg12[%mul3A_15, %dma_wait3A_53] : memref<1024x128xf32, #tpu.memory_space<vmem_shared>> -> memref<64x128xf32, #tpu.memory_space<vmem_shared>>
      tpu.wait_dma2 semaphore(%run_scoped3A : memref<!tpu.dma_semaphore, #tpu.memory_space<semaphore_mem>>) src(%arg10 : memref<64x128xf32, #tpu.memory_space<vmem>>) dst(%dma_wait3A_54 : memref<64x128xf32, #tpu.memory_space<vmem_shared>>)
      tpu.yield
    }) : () -> ()
    %scan3A_16 = arith.constant 0 : i32
    %scan3A_17 = arith.constant 0 : i32
    %scan3A_18 = arith.constant 256 : i32
    %scan3A_19 = arith.addi %scan3A_17, %scan3A_18 : i32
    %scan3A_20 = arith.constant 1 : i32
    scf.for %scan3A_49 = %scan3A_17 to %scan3A_19 step %scan3A_20  : i32 {
      %swap3A = arith.index_cast %scan3A_49 : i32 to index
      %swap3A_50 = arith.constant 64 : index
      %swap3A_51 = tpu.vector_load %arg9[%swap3A, %swap3A_50] {strides = array<i32>} : memref<256x128xf32, #tpu.memory_space<vmem>>, vector<1x16xf32>,
      %swap3A_52 = vector.shape_cast %swap3A_51 : vector<1x16xf32> to vector<16xf32>
      %swap3A_53 = vector.shape_cast %broadcast_in_dim3A_3 : vector<16xf32> to vector<1x16xf32>
      tpu.vector_store %arg9[%swap3A, %swap3A_50], %swap3A_53 {strides = array<i32>} : memref<256x128xf32, #tpu.memory_space<vmem>>, vector<1x16xf32>,
      %swap3A_54 = arith.index_cast %scan3A_49 : i32 to index
      %swap3A_55 = arith.constant 80 : index
      %swap3A_56 = tpu.vector_load %arg9[%swap3A_54, %swap3A_55] {strides = array<i32>} : memref<256x128xf32, #tpu.memory_space<vmem>>, vector<1x16xf32>,
      %swap3A_57 = vector.shape_cast %swap3A_56 : vector<1x16xf32> to vector<16xf32>
      %swap3A_58 = vector.shape_cast %broadcast_in_dim3A_3 : vector<16xf32> to vector<1x16xf32>
      tpu.vector_store %arg9[%swap3A_54, %swap3A_55], %swap3A_58 {strides = array<i32>} : memref<256x128xf32, #tpu.memory_space<vmem>>, vector<1x16xf32>,
      %swap3A_59 = arith.index_cast %scan3A_49 : i32 to index
      %swap3A_60 = arith.constant 96 : index
      %swap3A_61 = tpu.vector_load %arg9[%swap3A_59, %swap3A_60] {strides = array<i32>} : memref<256x128xf32, #tpu.memory_space<vmem>>, vector<1x16xf32>,
      %swap3A_62 = vector.shape_cast %swap3A_61 : vector<1x16xf32> to vector<16xf32>
      %swap3A_63 = vector.shape_cast %broadcast_in_dim3A_3 : vector<16xf32> to vector<1x16xf32>
      tpu.vector_store %arg9[%swap3A_59, %swap3A_60], %swap3A_63 {strides = array<i32>} : memref<256x128xf32, #tpu.memory_space<vmem>>, vector<1x16xf32>,
      %swap3A_64 = arith.index_cast %scan3A_49 : i32 to index
      %swap3A_65 = arith.constant 112 : index
      %swap3A_66 = tpu.vector_load %arg9[%swap3A_64, %swap3A_65] {strides = array<i32>} : memref<256x128xf32, #tpu.memory_space<vmem>>, vector<1x16xf32>,
      %swap3A_67 = vector.shape_cast %swap3A_66 : vector<1x16xf32> to vector<16xf32>
      %swap3A_68 = vector.shape_cast %broadcast_in_dim3A_3 : vector<16xf32> to vector<1x16xf32>
      tpu.vector_store %arg9[%swap3A_64, %swap3A_65], %swap3A_68 {strides = array<i32>} : memref<256x128xf32, #tpu.memory_space<vmem>>, vector<1x16xf32>,
    }
    %scan3A_21 = arith.constant 256 : i32
    %barrier3A = arith.constant 0 : index
    tpu.barrier barrier_id(%barrier3A)
    %add3A_22 = arith.constant 0 : i32
    %add3A_23 = arith.addi %mul3A_2, %add3A_22 : i32
    "tpu.region"() ({
      %run_scoped3A = tpu.sem_alloc : memref<!tpu.dma_semaphore, #tpu.memory_space<semaphore_mem>>
      %dma_start3A = tpu.memref_slice %arg2[%add3A_23] : memref<16384xi32, #tpu.memory_space<hbm>> -> memref<256xi32, #tpu.memory_space<hbm>>
      %dma_start3A_49 = tpu.memref_slice %arg2[%add3A_23] : memref<16384xi32, #tpu.memory_space<hbm>> -> memref<256xi32, #tpu.memory_space<hbm>>
      tpu.enqueue_dma source(%dma_start3A_49 : memref<256xi32, #tpu.memory_space<hbm>>) target(%arg7 : memref<256xi32, #tpu.memory_space<vmem>>) target_semaphore(%run_scoped3A : memref<!tpu.dma_semaphore, #tpu.memory_space<semaphore_mem>>)
      %dma_wait3A = tpu.memref_slice %arg2[%add3A_23] : memref<16384xi32, #tpu.memory_space<hbm>> -> memref<256xi32, #tpu.memory_space<hbm>>
      %dma_wait3A_50 = tpu.memref_slice %arg2[%add3A_23] : memref<16384xi32, #tpu.memory_space<hbm>> -> memref<256xi32, #tpu.memory_space<hbm>>
      tpu.wait_dma2 semaphore(%run_scoped3A : memref<!tpu.dma_semaphore, #tpu.memory_space<semaphore_mem>>) src(%dma_wait3A_50 : memref<256xi32, #tpu.memory_space<hbm>>) dst(%arg7 : memref<256xi32, #tpu.memory_space<vmem>>)
      tpu.yield
    }) : () -> ()
    "tpu.region"() ({
      %run_scoped3A = tpu.sem_alloc : memref<!tpu.dma_semaphore, #tpu.memory_space<semaphore_mem>>
      %dma_start3A = arith.constant 0 : i32
      %dma_start3A_49 = tpu.memref_slice %arg3[%add3A_23, %dma_start3A] : memref<16384x64xf32, #tpu.memory_space<hbm>> -> memref<256x64xf32, #tpu.memory_space<hbm>>
      %dma_start3A_50 = arith.constant 0 : i32
      %dma_start3A_51 = tpu.memref_slice %arg3[%add3A_23, %dma_start3A_50] : memref<16384x64xf32, #tpu.memory_space<hbm>> -> memref<256x64xf32, #tpu.memory_space<hbm>>
      tpu.enqueue_dma source(%dma_start3A_51 : memref<256x64xf32, #tpu.memory_space<hbm>>) target(%arg8 : memref<256x64xf32, #tpu.memory_space<vmem>>) target_semaphore(%run_scoped3A : memref<!tpu.dma_semaphore, #tpu.memory_space<semaphore_mem>>)
      %dma_wait3A = arith.constant 0 : i32
      %dma_wait3A_52 = tpu.memref_slice %arg3[%add3A_23, %dma_wait3A] : memref<16384x64xf32, #tpu.memory_space<hbm>> -> memref<256x64xf32, #tpu.memory_space<hbm>>
      %dma_wait3A_53 = arith.constant 0 : i32
      %dma_wait3A_54 = tpu.memref_slice %arg3[%add3A_23, %dma_wait3A_53] : memref<16384x64xf32, #tpu.memory_space<hbm>> -> memref<256x64xf32, #tpu.memory_space<hbm>>
      tpu.wait_dma2 semaphore(%run_scoped3A : memref<!tpu.dma_semaphore, #tpu.memory_space<semaphore_mem>>) src(%dma_wait3A_54 : memref<256x64xf32, #tpu.memory_space<hbm>>) dst(%arg8 : memref<256x64xf32, #tpu.memory_space<vmem>>)
      tpu.yield
    }) : () -> ()
    %scan3A_24 = arith.constant 0 : i32
    %scan3A_25 = arith.constant 0 : i32
    %scan3A_26 = arith.constant 256 : i32
    %scan3A_27 = arith.addi %scan3A_25, %scan3A_26 : i32
    %scan3A_28 = arith.constant 1 : i32
    scf.for %scan3A_49 = %scan3A_25 to %scan3A_27 step %scan3A_28  : i32 {
      %get3A = arith.index_cast %scan3A_49 : i32 to index
      %get3A_50 = arith.constant 0 : index
      %get3A_51 = tpu.vector_load %arg8[%get3A, %get3A_50] {strides = array<i32>} : memref<256x64xf32, #tpu.memory_space<vmem>>, vector<1x16xf32>,
      %get3A_52 = vector.shape_cast %get3A_51 : vector<1x16xf32> to vector<16xf32>
      %gt3A = arith.constant 0.000000e+00 : f32
      %gt3A_53 = vector.broadcast %gt3A : f32 to vector<16xf32>
      %gt3A_54 = arith.cmpf ogt, %get3A_52, %gt3A_53 : vector<16xf32>
      %lt3A = arith.constant 0.000000e+00 : f32
      %lt3A_55 = vector.broadcast %lt3A : f32 to vector<16xf32>
      %lt3A_56 = arith.cmpf olt, %get3A_52, %lt3A_55 : vector<16xf32>
      %neg3A = arith.constant 0.000000e+00 : f32
      %neg3A_57 = vector.broadcast %neg3A : f32 to vector<16xf32>
      %neg3A_58 = arith.subf %neg3A_57, %broadcast_in_dim3A_5 : vector<16xf32>
      %select_n3A = arith.select %lt3A_56, %neg3A_58, %broadcast_in_dim3A_3 : vector<16xi1>, vector<16xf32>
      %select_n3A_59 = arith.select %gt3A_54, %broadcast_in_dim3A_5, %select_n3A : vector<16xi1>, vector<16xf32>
      %swap3A = arith.index_cast %scan3A_49 : i32 to index
      %swap3A_60 = arith.constant 0 : index
      %swap3A_61 = tpu.vector_load %arg9[%swap3A, %swap3A_60] {strides = array<i32>} : memref<256x128xf32, #tpu.memory_space<vmem>>, vector<1x16xf32>,
      %swap3A_62 = vector.shape_cast %swap3A_61 : vector<1x16xf32> to vector<16xf32>
      %swap3A_63 = vector.shape_cast %select_n3A_59 : vector<16xf32> to vector<1x16xf32>
      tpu.vector_store %arg9[%swap3A, %swap3A_60], %swap3A_63 {strides = array<i32>} : memref<256x128xf32, #tpu.memory_space<vmem>>, vector<1x16xf32>,
      %get3A_64 = arith.index_cast %scan3A_49 : i32 to index
      %get3A_65 = arith.constant 16 : index
      %get3A_66 = tpu.vector_load %arg8[%get3A_64, %get3A_65] {strides = array<i32>} : memref<256x64xf32, #tpu.memory_space<vmem>>, vector<1x16xf32>,
      %get3A_67 = vector.shape_cast %get3A_66 : vector<1x16xf32> to vector<16xf32>
      %gt3A_68 = arith.constant 0.000000e+00 : f32
      %gt3A_69 = vector.broadcast %gt3A_68 : f32 to vector<16xf32>
      %gt3A_70 = arith.cmpf ogt, %get3A_67, %gt3A_69 : vector<16xf32>
      %lt3A_71 = arith.constant 0.000000e+00 : f32
      %lt3A_72 = vector.broadcast %lt3A_71 : f32 to vector<16xf32>
      %lt3A_73 = arith.cmpf olt, %get3A_67, %lt3A_72 : vector<16xf32>
      %neg3A_74 = arith.constant 0.000000e+00 : f32
      %neg3A_75 = vector.broadcast %neg3A_74 : f32 to vector<16xf32>
      %neg3A_76 = arith.subf %neg3A_75, %broadcast_in_dim3A_5 : vector<16xf32>
      %select_n3A_77 = arith.select %lt3A_73, %neg3A_76, %broadcast_in_dim3A_3 : vector<16xi1>, vector<16xf32>
      %select_n3A_78 = arith.select %gt3A_70, %broadcast_in_dim3A_5, %select_n3A_77 : vector<16xi1>, vector<16xf32>
      %swap3A_79 = arith.index_cast %scan3A_49 : i32 to index
      %swap3A_80 = arith.constant 16 : index
      %swap3A_81 = tpu.vector_load %arg9[%swap3A_79, %swap3A_80] {strides = array<i32>} : memref<256x128xf32, #tpu.memory_space<vmem>>, vector<1x16xf32>,
      %swap3A_82 = vector.shape_cast %swap3A_81 : vector<1x16xf32> to vector<16xf32>
      %swap3A_83 = vector.shape_cast %select_n3A_78 : vector<16xf32> to vector<1x16xf32>
      tpu.vector_store %arg9[%swap3A_79, %swap3A_80], %swap3A_83 {strides = array<i32>} : memref<256x128xf32, #tpu.memory_space<vmem>>, vector<1x16xf32>,
      %get3A_84 = arith.index_cast %scan3A_49 : i32 to index
      %get3A_85 = arith.constant 32 : index
      %get3A_86 = tpu.vector_load %arg8[%get3A_84, %get3A_85] {strides = array<i32>} : memref<256x64xf32, #tpu.memory_space<vmem>>, vector<1x16xf32>,
      %get3A_87 = vector.shape_cast %get3A_86 : vector<1x16xf32> to vector<16xf32>
      %gt3A_88 = arith.constant 0.000000e+00 : f32
      %gt3A_89 = vector.broadcast %gt3A_88 : f32 to vector<16xf32>
      %gt3A_90 = arith.cmpf ogt, %get3A_87, %gt3A_89 : vector<16xf32>
      %lt3A_91 = arith.constant 0.000000e+00 : f32
      %lt3A_92 = vector.broadcast %lt3A_91 : f32 to vector<16xf32>
      %lt3A_93 = arith.cmpf olt, %get3A_87, %lt3A_92 : vector<16xf32>
      %neg3A_94 = arith.constant 0.000000e+00 : f32
      %neg3A_95 = vector.broadcast %neg3A_94 : f32 to vector<16xf32>
      %neg3A_96 = arith.subf %neg3A_95, %broadcast_in_dim3A_5 : vector<16xf32>
      %select_n3A_97 = arith.select %lt3A_93, %neg3A_96, %broadcast_in_dim3A_3 : vector<16xi1>, vector<16xf32>
      %select_n3A_98 = arith.select %gt3A_90, %broadcast_in_dim3A_5, %select_n3A_97 : vector<16xi1>, vector<16xf32>
      %swap3A_99 = arith.index_cast %scan3A_49 : i32 to index
      %swap3A_100 = arith.constant 32 : index
      %swap3A_101 = tpu.vector_load %arg9[%swap3A_99, %swap3A_100] {strides = array<i32>} : memref<256x128xf32, #tpu.memory_space<vmem>>, vector<1x16xf32>,
      %swap3A_102 = vector.shape_cast %swap3A_101 : vector<1x16xf32> to vector<16xf32>
      %swap3A_103 = vector.shape_cast %select_n3A_98 : vector<16xf32> to vector<1x16xf32>
      tpu.vector_store %arg9[%swap3A_99, %swap3A_100], %swap3A_103 {strides = array<i32>} : memref<256x128xf32, #tpu.memory_space<vmem>>, vector<1x16xf32>,
      %get3A_104 = arith.index_cast %scan3A_49 : i32 to index
      %get3A_105 = arith.constant 48 : index
      %get3A_106 = tpu.vector_load %arg8[%get3A_104, %get3A_105] {strides = array<i32>} : memref<256x64xf32, #tpu.memory_space<vmem>>, vector<1x16xf32>,
      %get3A_107 = vector.shape_cast %get3A_106 : vector<1x16xf32> to vector<16xf32>
      %gt3A_108 = arith.constant 0.000000e+00 : f32
      %gt3A_109 = vector.broadcast %gt3A_108 : f32 to vector<16xf32>
      %gt3A_110 = arith.cmpf ogt, %get3A_107, %gt3A_109 : vector<16xf32>
      %lt3A_111 = arith.constant 0.000000e+00 : f32
      %lt3A_112 = vector.broadcast %lt3A_111 : f32 to vector<16xf32>
      %lt3A_113 = arith.cmpf olt, %get3A_107, %lt3A_112 : vector<16xf32>
      %neg3A_114 = arith.constant 0.000000e+00 : f32
      %neg3A_115 = vector.broadcast %neg3A_114 : f32 to vector<16xf32>
      %neg3A_116 = arith.subf %neg3A_115, %broadcast_in_dim3A_5 : vector<16xf32>
      %select_n3A_117 = arith.select %lt3A_113, %neg3A_116, %broadcast_in_dim3A_3 : vector<16xi1>, vector<16xf32>
      %select_n3A_118 = arith.select %gt3A_110, %broadcast_in_dim3A_5, %select_n3A_117 : vector<16xi1>, vector<16xf32>
      %swap3A_119 = arith.index_cast %scan3A_49 : i32 to index
      %swap3A_120 = arith.constant 48 : index
      %swap3A_121 = tpu.vector_load %arg9[%swap3A_119, %swap3A_120] {strides = array<i32>} : memref<256x128xf32, #tpu.memory_space<vmem>>, vector<1x16xf32>,
      %swap3A_122 = vector.shape_cast %swap3A_121 : vector<1x16xf32> to vector<16xf32>
      %swap3A_123 = vector.shape_cast %select_n3A_118 : vector<16xf32> to vector<1x16xf32>
      tpu.vector_store %arg9[%swap3A_119, %swap3A_120], %swap3A_123 {strides = array<i32>} : memref<256x128xf32, #tpu.memory_space<vmem>>, vector<1x16xf32>,
    }
    %scan3A_29 = arith.constant 256 : i32
    "tpu.region"() ({
      %run_scoped3A = tpu.sem_alloc : memref<!tpu.dma_semaphore, #tpu.memory_space<semaphore_mem>>
      %dma_start3A = arith.constant 0 : i32
      %dma_start3A_49 = arith.constant 0 : i32
      %dma_start3A_50 = tpu.memref_slice %arg12[%dma_start3A, %dma_start3A_49] : memref<1024x128xf32, #tpu.memory_space<vmem_shared>> -> memref<1024x128xf32, #tpu.memory_space<vmem_shared>>
      tpu.enqueue_indirect_dma source(%arg9 : memref<256x128xf32, #tpu.memory_space<vmem>>) target(%dma_start3A_50 : memref<1024x128xf32, #tpu.memory_space<vmem_shared>>) offsets(%arg7 : memref<256xi32, #tpu.memory_space<vmem>>) semaphore(%run_scoped3A : memref<!tpu.dma_semaphore, #tpu.memory_space<semaphore_mem>>) {add = true}
      %dma_wait3A = arith.constant 0 : i32
      %dma_wait3A_51 = arith.constant 0 : i32
      %dma_wait3A_52 = tpu.memref_slice %arg12[%dma_wait3A, %dma_wait3A_51] : memref<1024x128xf32, #tpu.memory_space<vmem_shared>> -> memref<1024x128xf32, #tpu.memory_space<vmem_shared>>
      tpu.wait_indirect_dma semaphore(%run_scoped3A : memref<!tpu.dma_semaphore, #tpu.memory_space<semaphore_mem>>) src(%arg9 : memref<256x128xf32, #tpu.memory_space<vmem>>) dst(%dma_wait3A_52 : memref<1024x128xf32, #tpu.memory_space<vmem_shared>>)
      tpu.yield
    }) : () -> ()
    %add3A_30 = arith.constant 256 : i32
    %add3A_31 = arith.addi %mul3A_2, %add3A_30 : i32
    "tpu.region"() ({
      %run_scoped3A = tpu.sem_alloc : memref<!tpu.dma_semaphore, #tpu.memory_space<semaphore_mem>>
      %dma_start3A = tpu.memref_slice %arg2[%add3A_31] : memref<16384xi32, #tpu.memory_space<hbm>> -> memref<256xi32, #tpu.memory_space<hbm>>
      %dma_start3A_49 = tpu.memref_slice %arg2[%add3A_31] : memref<16384xi32, #tpu.memory_space<hbm>> -> memref<256xi32, #tpu.memory_space<hbm>>
      tpu.enqueue_dma source(%dma_start3A_49 : memref<256xi32, #tpu.memory_space<hbm>>) target(%arg7 : memref<256xi32, #tpu.memory_space<vmem>>) target_semaphore(%run_scoped3A : memref<!tpu.dma_semaphore, #tpu.memory_space<semaphore_mem>>)
      %dma_wait3A = tpu.memref_slice %arg2[%add3A_31] : memref<16384xi32, #tpu.memory_space<hbm>> -> memref<256xi32, #tpu.memory_space<hbm>>
      %dma_wait3A_50 = tpu.memref_slice %arg2[%add3A_31] : memref<16384xi32, #tpu.memory_space<hbm>> -> memref<256xi32, #tpu.memory_space<hbm>>
      tpu.wait_dma2 semaphore(%run_scoped3A : memref<!tpu.dma_semaphore, #tpu.memory_space<semaphore_mem>>) src(%dma_wait3A_50 : memref<256xi32, #tpu.memory_space<hbm>>) dst(%arg7 : memref<256xi32, #tpu.memory_space<vmem>>)
      tpu.yield
    }) : () -> ()
    "tpu.region"() ({
      %run_scoped3A = tpu.sem_alloc : memref<!tpu.dma_semaphore, #tpu.memory_space<semaphore_mem>>
      %dma_start3A = arith.constant 0 : i32
      %dma_start3A_49 = tpu.memref_slice %arg3[%add3A_31, %dma_start3A] : memref<16384x64xf32, #tpu.memory_space<hbm>> -> memref<256x64xf32, #tpu.memory_space<hbm>>
      %dma_start3A_50 = arith.constant 0 : i32
      %dma_start3A_51 = tpu.memref_slice %arg3[%add3A_31, %dma_start3A_50] : memref<16384x64xf32, #tpu.memory_space<hbm>> -> memref<256x64xf32, #tpu.memory_space<hbm>>
      tpu.enqueue_dma source(%dma_start3A_51 : memref<256x64xf32, #tpu.memory_space<hbm>>) target(%arg8 : memref<256x64xf32, #tpu.memory_space<vmem>>) target_semaphore(%run_scoped3A : memref<!tpu.dma_semaphore, #tpu.memory_space<semaphore_mem>>)
      %dma_wait3A = arith.constant 0 : i32
      %dma_wait3A_52 = tpu.memref_slice %arg3[%add3A_31, %dma_wait3A] : memref<16384x64xf32, #tpu.memory_space<hbm>> -> memref<256x64xf32, #tpu.memory_space<hbm>>
      %dma_wait3A_53 = arith.constant 0 : i32
      %dma_wait3A_54 = tpu.memref_slice %arg3[%add3A_31, %dma_wait3A_53] : memref<16384x64xf32, #tpu.memory_space<hbm>> -> memref<256x64xf32, #tpu.memory_space<hbm>>
      tpu.wait_dma2 semaphore(%run_scoped3A : memref<!tpu.dma_semaphore, #tpu.memory_space<semaphore_mem>>) src(%dma_wait3A_54 : memref<256x64xf32, #tpu.memory_space<hbm>>) dst(%arg8 : memref<256x64xf32, #tpu.memory_space<vmem>>)
      tpu.yield
    }) : () -> ()
    %scan3A_32 = arith.constant 0 : i32
    %scan3A_33 = arith.constant 0 : i32
    %scan3A_34 = arith.constant 256 : i32
    %scan3A_35 = arith.addi %scan3A_33, %scan3A_34 : i32
    %scan3A_36 = arith.constant 1 : i32
    scf.for %scan3A_49 = %scan3A_33 to %scan3A_35 step %scan3A_36  : i32 {
      %get3A = arith.index_cast %scan3A_49 : i32 to index
      %get3A_50 = arith.constant 0 : index
      %get3A_51 = tpu.vector_load %arg8[%get3A, %get3A_50] {strides = array<i32>} : memref<256x64xf32, #tpu.memory_space<vmem>>, vector<1x16xf32>,
      %get3A_52 = vector.shape_cast %get3A_51 : vector<1x16xf32> to vector<16xf32>
      %gt3A = arith.constant 0.000000e+00 : f32
      %gt3A_53 = vector.broadcast %gt3A : f32 to vector<16xf32>
      %gt3A_54 = arith.cmpf ogt, %get3A_52, %gt3A_53 : vector<16xf32>
      %lt3A = arith.constant 0.000000e+00 : f32
      %lt3A_55 = vector.broadcast %lt3A : f32 to vector<16xf32>
      %lt3A_56 = arith.cmpf olt, %get3A_52, %lt3A_55 : vector<16xf32>
      %neg3A = arith.constant 0.000000e+00 : f32
      %neg3A_57 = vector.broadcast %neg3A : f32 to vector<16xf32>
      %neg3A_58 = arith.subf %neg3A_57, %broadcast_in_dim3A_5 : vector<16xf32>
      %select_n3A = arith.select %lt3A_56, %neg3A_58, %broadcast_in_dim3A_3 : vector<16xi1>, vector<16xf32>
      %select_n3A_59 = arith.select %gt3A_54, %broadcast_in_dim3A_5, %select_n3A : vector<16xi1>, vector<16xf32>
      %swap3A = arith.index_cast %scan3A_49 : i32 to index
      %swap3A_60 = arith.constant 0 : index
      %swap3A_61 = tpu.vector_load %arg9[%swap3A, %swap3A_60] {strides = array<i32>} : memref<256x128xf32, #tpu.memory_space<vmem>>, vector<1x16xf32>,
      %swap3A_62 = vector.shape_cast %swap3A_61 : vector<1x16xf32> to vector<16xf32>
      %swap3A_63 = vector.shape_cast %select_n3A_59 : vector<16xf32> to vector<1x16xf32>
      tpu.vector_store %arg9[%swap3A, %swap3A_60], %swap3A_63 {strides = array<i32>} : memref<256x128xf32, #tpu.memory_space<vmem>>, vector<1x16xf32>,
      %get3A_64 = arith.index_cast %scan3A_49 : i32 to index
      %get3A_65 = arith.constant 16 : index
      %get3A_66 = tpu.vector_load %arg8[%get3A_64, %get3A_65] {strides = array<i32>} : memref<256x64xf32, #tpu.memory_space<vmem>>, vector<1x16xf32>,
      %get3A_67 = vector.shape_cast %get3A_66 : vector<1x16xf32> to vector<16xf32>
      %gt3A_68 = arith.constant 0.000000e+00 : f32
      %gt3A_69 = vector.broadcast %gt3A_68 : f32 to vector<16xf32>
      %gt3A_70 = arith.cmpf ogt, %get3A_67, %gt3A_69 : vector<16xf32>
      %lt3A_71 = arith.constant 0.000000e+00 : f32
      %lt3A_72 = vector.broadcast %lt3A_71 : f32 to vector<16xf32>
      %lt3A_73 = arith.cmpf olt, %get3A_67, %lt3A_72 : vector<16xf32>
      %neg3A_74 = arith.constant 0.000000e+00 : f32
      %neg3A_75 = vector.broadcast %neg3A_74 : f32 to vector<16xf32>
      %neg3A_76 = arith.subf %neg3A_75, %broadcast_in_dim3A_5 : vector<16xf32>
      %select_n3A_77 = arith.select %lt3A_73, %neg3A_76, %broadcast_in_dim3A_3 : vector<16xi1>, vector<16xf32>
      %select_n3A_78 = arith.select %gt3A_70, %broadcast_in_dim3A_5, %select_n3A_77 : vector<16xi1>, vector<16xf32>
      %swap3A_79 = arith.index_cast %scan3A_49 : i32 to index
      %swap3A_80 = arith.constant 16 : index
      %swap3A_81 = tpu.vector_load %arg9[%swap3A_79, %swap3A_80] {strides = array<i32>} : memref<256x128xf32, #tpu.memory_space<vmem>>, vector<1x16xf32>,
      %swap3A_82 = vector.shape_cast %swap3A_81 : vector<1x16xf32> to vector<16xf32>
      %swap3A_83 = vector.shape_cast %select_n3A_78 : vector<16xf32> to vector<1x16xf32>
      tpu.vector_store %arg9[%swap3A_79, %swap3A_80], %swap3A_83 {strides = array<i32>} : memref<256x128xf32, #tpu.memory_space<vmem>>, vector<1x16xf32>,
      %get3A_84 = arith.index_cast %scan3A_49 : i32 to index
      %get3A_85 = arith.constant 32 : index
      %get3A_86 = tpu.vector_load %arg8[%get3A_84, %get3A_85] {strides = array<i32>} : memref<256x64xf32, #tpu.memory_space<vmem>>, vector<1x16xf32>,
      %get3A_87 = vector.shape_cast %get3A_86 : vector<1x16xf32> to vector<16xf32>
      %gt3A_88 = arith.constant 0.000000e+00 : f32
      %gt3A_89 = vector.broadcast %gt3A_88 : f32 to vector<16xf32>
      %gt3A_90 = arith.cmpf ogt, %get3A_87, %gt3A_89 : vector<16xf32>
      %lt3A_91 = arith.constant 0.000000e+00 : f32
      %lt3A_92 = vector.broadcast %lt3A_91 : f32 to vector<16xf32>
      %lt3A_93 = arith.cmpf olt, %get3A_87, %lt3A_92 : vector<16xf32>
      %neg3A_94 = arith.constant 0.000000e+00 : f32
      %neg3A_95 = vector.broadcast %neg3A_94 : f32 to vector<16xf32>
      %neg3A_96 = arith.subf %neg3A_95, %broadcast_in_dim3A_5 : vector<16xf32>
      %select_n3A_97 = arith.select %lt3A_93, %neg3A_96, %broadcast_in_dim3A_3 : vector<16xi1>, vector<16xf32>
      %select_n3A_98 = arith.select %gt3A_90, %broadcast_in_dim3A_5, %select_n3A_97 : vector<16xi1>, vector<16xf32>
      %swap3A_99 = arith.index_cast %scan3A_49 : i32 to index
      %swap3A_100 = arith.constant 32 : index
      %swap3A_101 = tpu.vector_load %arg9[%swap3A_99, %swap3A_100] {strides = array<i32>} : memref<256x128xf32, #tpu.memory_space<vmem>>, vector<1x16xf32>,
      %swap3A_102 = vector.shape_cast %swap3A_101 : vector<1x16xf32> to vector<16xf32>
      %swap3A_103 = vector.shape_cast %select_n3A_98 : vector<16xf32> to vector<1x16xf32>
      tpu.vector_store %arg9[%swap3A_99, %swap3A_100], %swap3A_103 {strides = array<i32>} : memref<256x128xf32, #tpu.memory_space<vmem>>, vector<1x16xf32>,
      %get3A_104 = arith.index_cast %scan3A_49 : i32 to index
      %get3A_105 = arith.constant 48 : index
      %get3A_106 = tpu.vector_load %arg8[%get3A_104, %get3A_105] {strides = array<i32>} : memref<256x64xf32, #tpu.memory_space<vmem>>, vector<1x16xf32>,
      %get3A_107 = vector.shape_cast %get3A_106 : vector<1x16xf32> to vector<16xf32>
      %gt3A_108 = arith.constant 0.000000e+00 : f32
      %gt3A_109 = vector.broadcast %gt3A_108 : f32 to vector<16xf32>
      %gt3A_110 = arith.cmpf ogt, %get3A_107, %gt3A_109 : vector<16xf32>
      %lt3A_111 = arith.constant 0.000000e+00 : f32
      %lt3A_112 = vector.broadcast %lt3A_111 : f32 to vector<16xf32>
      %lt3A_113 = arith.cmpf olt, %get3A_107, %lt3A_112 : vector<16xf32>
      %neg3A_114 = arith.constant 0.000000e+00 : f32
      %neg3A_115 = vector.broadcast %neg3A_114 : f32 to vector<16xf32>
      %neg3A_116 = arith.subf %neg3A_115, %broadcast_in_dim3A_5 : vector<16xf32>
      %select_n3A_117 = arith.select %lt3A_113, %neg3A_116, %broadcast_in_dim3A_3 : vector<16xi1>, vector<16xf32>
      %select_n3A_118 = arith.select %gt3A_110, %broadcast_in_dim3A_5, %select_n3A_117 : vector<16xi1>, vector<16xf32>
      %swap3A_119 = arith.index_cast %scan3A_49 : i32 to index
      %swap3A_120 = arith.constant 48 : index
      %swap3A_121 = tpu.vector_load %arg9[%swap3A_119, %swap3A_120] {strides = array<i32>} : memref<256x128xf32, #tpu.memory_space<vmem>>, vector<1x16xf32>,
      %swap3A_122 = vector.shape_cast %swap3A_121 : vector<1x16xf32> to vector<16xf32>
      %swap3A_123 = vector.shape_cast %select_n3A_118 : vector<16xf32> to vector<1x16xf32>
      tpu.vector_store %arg9[%swap3A_119, %swap3A_120], %swap3A_123 {strides = array<i32>} : memref<256x128xf32, #tpu.memory_space<vmem>>, vector<1x16xf32>,
    }
    %scan3A_37 = arith.constant 256 : i32
    "tpu.region"() ({
      %run_scoped3A = tpu.sem_alloc : memref<!tpu.dma_semaphore, #tpu.memory_space<semaphore_mem>>
      %dma_start3A = arith.constant 0 : i32
      %dma_start3A_49 = arith.constant 0 : i32
      %dma_start3A_50 = tpu.memref_slice %arg12[%dma_start3A, %dma_start3A_49] : memref<1024x128xf32, #tpu.memory_space<vmem_shared>> -> memref<1024x128xf32, #tpu.memory_space<vmem_shared>>
      tpu.enqueue_indirect_dma source(%arg9 : memref<256x128xf32, #tpu.memory_space<vmem>>) target(%dma_start3A_50 : memref<1024x128xf32, #tpu.memory_space<vmem_shared>>) offsets(%arg7 : memref<256xi32, #tpu.memory_space<vmem>>) semaphore(%run_scoped3A : memref<!tpu.dma_semaphore, #tpu.memory_space<semaphore_mem>>) {add = true}
      %dma_wait3A = arith.constant 0 : i32
      %dma_wait3A_51 = arith.constant 0 : i32
      %dma_wait3A_52 = tpu.memref_slice %arg12[%dma_wait3A, %dma_wait3A_51] : memref<1024x128xf32, #tpu.memory_space<vmem_shared>> -> memref<1024x128xf32, #tpu.memory_space<vmem_shared>>
      tpu.wait_indirect_dma semaphore(%run_scoped3A : memref<!tpu.dma_semaphore, #tpu.memory_space<semaphore_mem>>) src(%arg9 : memref<256x128xf32, #tpu.memory_space<vmem>>) dst(%dma_wait3A_52 : memref<1024x128xf32, #tpu.memory_space<vmem_shared>>)
      tpu.yield
    }) : () -> ()
    %barrier3A_38 = arith.constant 0 : index
    tpu.barrier barrier_id(%barrier3A_38)
    %mul3A_39 = arith.constant 64 : i32
    %mul3A_40 = arith.muli %arg1, %mul3A_39 : i32
    %eq3A_41 = arith.constant 0 : i32
    %eq3A_42 = arith.cmpi eq, %arg0, %eq3A_41 : i32
    %convert_element_type3A = arith.extui %eq3A_42 : i1 to i32
    %cond3A = arith.constant 0 : i32
    %cond3A_43 = arith.cmpi ne, %convert_element_type3A, %cond3A : i32
    scf.if %cond3A_43 {
      "tpu.region"() ({
        %run_scoped3A = tpu.sem_alloc : memref<!tpu.dma_semaphore, #tpu.memory_space<semaphore_mem>>
        %dma_start3A = arith.constant 0 : i32
        %dma_start3A_49 = tpu.memref_slice %arg5[%mul3A_40, %dma_start3A] : memref<1024x128xf32, #tpu.memory_space<hbm>> -> memref<64x128xf32, #tpu.memory_space<hbm>>
        %dma_start3A_50 = arith.constant 0 : i32
        %dma_start3A_51 = tpu.memref_slice %arg12[%mul3A_40, %dma_start3A_50] : memref<1024x128xf32, #tpu.memory_space<vmem_shared>> -> memref<64x128xf32, #tpu.memory_space<vmem_shared>>
        tpu.enqueue_dma source(%dma_start3A_51 : memref<64x128xf32, #tpu.memory_space<vmem_shared>>) target(%dma_start3A_49 : memref<64x128xf32, #tpu.memory_space<hbm>>) target_semaphore(%run_scoped3A : memref<!tpu.dma_semaphore, #tpu.memory_space<semaphore_mem>>)
        %dma_wait3A = arith.constant 0 : i32
        %dma_wait3A_52 = tpu.memref_slice %arg5[%mul3A_40, %dma_wait3A] : memref<1024x128xf32, #tpu.memory_space<hbm>> -> memref<64x128xf32, #tpu.memory_space<hbm>>
        %dma_wait3A_53 = arith.constant 0 : i32
        %dma_wait3A_54 = tpu.memref_slice %arg12[%mul3A_40, %dma_wait3A_53] : memref<1024x128xf32, #tpu.memory_space<vmem_shared>> -> memref<64x128xf32, #tpu.memory_space<vmem_shared>>
        tpu.wait_dma2 semaphore(%run_scoped3A : memref<!tpu.dma_semaphore, #tpu.memory_space<semaphore_mem>>) src(%dma_wait3A_54 : memref<64x128xf32, #tpu.memory_space<vmem_shared>>) dst(%dma_wait3A_52 : memref<64x128xf32, #tpu.memory_space<hbm>>)
        tpu.yield
      }) : () -> ()
    } else {
    }
    %eq3A_44 = arith.constant 1 : i32
    %eq3A_45 = arith.cmpi eq, %arg0, %eq3A_44 : i32
    %convert_element_type3A_46 = arith.extui %eq3A_45 : i1 to i32
    %cond3A_47 = arith.constant 0 : i32
    %cond3A_48 = arith.cmpi ne, %convert_element_type3A_46, %cond3A_47 : i32
    scf.if %cond3A_48 {
      "tpu.region"() ({
        %run_scoped3A = tpu.sem_alloc : memref<!tpu.dma_semaphore, #tpu.memory_space<semaphore_mem>>
        %dma_start3A = arith.constant 0 : i32
        %dma_start3A_49 = tpu.memref_slice %arg6[%mul3A_40, %dma_start3A] : memref<1024x128xf32, #tpu.memory_space<hbm>> -> memref<64x128xf32, #tpu.memory_space<hbm>>
        %dma_start3A_50 = arith.constant 0 : i32
        %dma_start3A_51 = tpu.memref_slice %arg12[%mul3A_40, %dma_start3A_50] : memref<1024x128xf32, #tpu.memory_space<vmem_shared>> -> memref<64x128xf32, #tpu.memory_space<vmem_shared>>
        tpu.enqueue_dma source(%dma_start3A_51 : memref<64x128xf32, #tpu.memory_space<vmem_shared>>) target(%dma_start3A_49 : memref<64x128xf32, #tpu.memory_space<hbm>>) target_semaphore(%run_scoped3A : memref<!tpu.dma_semaphore, #tpu.memory_space<semaphore_mem>>)
        %dma_wait3A = arith.constant 0 : i32
        %dma_wait3A_52 = tpu.memref_slice %arg6[%mul3A_40, %dma_wait3A] : memref<1024x128xf32, #tpu.memory_space<hbm>> -> memref<64x128xf32, #tpu.memory_space<hbm>>
        %dma_wait3A_53 = arith.constant 0 : i32
        %dma_wait3A_54 = tpu.memref_slice %arg12[%mul3A_40, %dma_wait3A_53] : memref<1024x128xf32, #tpu.memory_space<vmem_shared>> -> memref<64x128xf32, #tpu.memory_space<vmem_shared>>
        tpu.wait_dma2 semaphore(%run_scoped3A : memref<!tpu.dma_semaphore, #tpu.memory_space<semaphore_mem>>) src(%dma_wait3A_54 : memref<64x128xf32, #tpu.memory_space<vmem_shared>>) dst(%dma_wait3A_52 : memref<64x128xf32, #tpu.memory_space<hbm>>)
        tpu.yield
      }) : () -> ()
    } else {
    }
    return
  }
}

module attributes {stable_mosaic.version = 14 : i64} {
  func.func @_argmax_body(%arg0: i32, %arg1: memref<256x1024xf32, #tpu.memory_space<vmem>>, %arg2: memref<256x1024xf32, #tpu.memory_space<vmem>>, %arg3: memref<256x1024xf32, #tpu.memory_space<vmem>>, %arg4: memref<256x1024xf32, #tpu.memory_space<vmem>>, %arg5: memref<1x1x1024xi32, #tpu.memory_space<vmem>>) attributes {dimension_semantics = [#tpu.dimension_semantics<arbitrary>], iteration_bounds = array<i64: 16>, scalar_prefetch = 0 : i64, scratch_operands = 0 : i64, tpu.core_type = #tpu.core_type<tc>, window_params = [{transform_indices = @transform_0, window_bounds = array<i64: 256, 1024>}, {transform_indices = @transform_1, window_bounds = array<i64: 256, 1024>}, {transform_indices = @transform_2, window_bounds = array<i64: 256, 1024>}, {transform_indices = @transform_3, window_bounds = array<i64: 256, 1024>}, {transform_indices = @transform_4, window_bounds = array<i64: 1, 1, 1024>}]} {
    %iota3A = tpu.iota {dimensions = array<i32: 1>} : vector<256x1024xi32>
    %get3A = arith.constant 0 : index
    %get3A_0 = arith.constant 0 : index
    %get3A_1 = vector.load %arg1[%get3A, %get3A_0] : memref<256x1024xf32, #tpu.memory_space<vmem>>, vector<256x1024xf32>
    %reduce_max3A = arith.constant dense<0xFF800000> : vector<256xf32>
    %reduce_max3A_2 = vector.multi_reduction <maximumf>, %get3A_1, %reduce_max3A [1] : vector<256x1024xf32> to vector<256xf32>
    %broadcast_in_dim3A = vector.shape_cast %reduce_max3A_2 : vector<256xf32> to vector<256x1xf32>
    %eq3A = vector.broadcast %broadcast_in_dim3A : vector<256x1xf32> to vector<256x1024xf32>
    %eq3A_3 = arith.cmpf oeq, %get3A_1, %eq3A : vector<256x1024xf32>
    %jit3A = arith.constant 1024 : i32
    %broadcast_in_dim3A_4 = vector.broadcast %jit3A : i32 to vector<256x1024xi32>
    %select_n3A = arith.select %eq3A_3, %iota3A, %broadcast_in_dim3A_4 : vector<256x1024xi1>, vector<256x1024xi32>
    %reduce_min3A = arith.constant dense<2147483647> : vector<256xi32>
    %reduce_min3A_5 = vector.multi_reduction <minsi>, %select_n3A, %reduce_min3A [1] : vector<256x1024xi32> to vector<256xi32>
    %get3A_6 = arith.constant 0 : index
    %get3A_7 = arith.constant 0 : index
    %get3A_8 = vector.load %arg2[%get3A_6, %get3A_7] : memref<256x1024xf32, #tpu.memory_space<vmem>>, vector<256x1024xf32>
    %reduce_max3A_9 = arith.constant dense<0xFF800000> : vector<256xf32>
    %reduce_max3A_10 = vector.multi_reduction <maximumf>, %get3A_8, %reduce_max3A_9 [1] : vector<256x1024xf32> to vector<256xf32>
    %broadcast_in_dim3A_11 = vector.shape_cast %reduce_max3A_10 : vector<256xf32> to vector<256x1xf32>
    %eq3A_12 = vector.broadcast %broadcast_in_dim3A_11 : vector<256x1xf32> to vector<256x1024xf32>
    %eq3A_13 = arith.cmpf oeq, %get3A_8, %eq3A_12 : vector<256x1024xf32>
    %jit3A_14 = arith.constant 1024 : i32
    %broadcast_in_dim3A_15 = vector.broadcast %jit3A_14 : i32 to vector<256x1024xi32>
    %select_n3A_16 = arith.select %eq3A_13, %iota3A, %broadcast_in_dim3A_15 : vector<256x1024xi1>, vector<256x1024xi32>
    %reduce_min3A_17 = arith.constant dense<2147483647> : vector<256xi32>
    %reduce_min3A_18 = vector.multi_reduction <minsi>, %select_n3A_16, %reduce_min3A_17 [1] : vector<256x1024xi32> to vector<256xi32>
    %get3A_19 = arith.constant 0 : index
    %get3A_20 = arith.constant 0 : index
    %get3A_21 = vector.load %arg3[%get3A_19, %get3A_20] : memref<256x1024xf32, #tpu.memory_space<vmem>>, vector<256x1024xf32>
    %reduce_max3A_22 = arith.constant dense<0xFF800000> : vector<256xf32>
    %reduce_max3A_23 = vector.multi_reduction <maximumf>, %get3A_21, %reduce_max3A_22 [1] : vector<256x1024xf32> to vector<256xf32>
    %broadcast_in_dim3A_24 = vector.shape_cast %reduce_max3A_23 : vector<256xf32> to vector<256x1xf32>
    %eq3A_25 = vector.broadcast %broadcast_in_dim3A_24 : vector<256x1xf32> to vector<256x1024xf32>
    %eq3A_26 = arith.cmpf oeq, %get3A_21, %eq3A_25 : vector<256x1024xf32>
    %jit3A_27 = arith.constant 1024 : i32
    %broadcast_in_dim3A_28 = vector.broadcast %jit3A_27 : i32 to vector<256x1024xi32>
    %select_n3A_29 = arith.select %eq3A_26, %iota3A, %broadcast_in_dim3A_28 : vector<256x1024xi1>, vector<256x1024xi32>
    %reduce_min3A_30 = arith.constant dense<2147483647> : vector<256xi32>
    %reduce_min3A_31 = vector.multi_reduction <minsi>, %select_n3A_29, %reduce_min3A_30 [1] : vector<256x1024xi32> to vector<256xi32>
    %get3A_32 = arith.constant 0 : index
    %get3A_33 = arith.constant 0 : index
    %get3A_34 = vector.load %arg4[%get3A_32, %get3A_33] : memref<256x1024xf32, #tpu.memory_space<vmem>>, vector<256x1024xf32>
    %reduce_max3A_35 = arith.constant dense<0xFF800000> : vector<256xf32>
    %reduce_max3A_36 = vector.multi_reduction <maximumf>, %get3A_34, %reduce_max3A_35 [1] : vector<256x1024xf32> to vector<256xf32>
    %broadcast_in_dim3A_37 = vector.shape_cast %reduce_max3A_36 : vector<256xf32> to vector<256x1xf32>
    %eq3A_38 = vector.broadcast %broadcast_in_dim3A_37 : vector<256x1xf32> to vector<256x1024xf32>
    %eq3A_39 = arith.cmpf oeq, %get3A_34, %eq3A_38 : vector<256x1024xf32>
    %jit3A_40 = arith.constant 1024 : i32
    %broadcast_in_dim3A_41 = vector.broadcast %jit3A_40 : i32 to vector<256x1024xi32>
    %select_n3A_42 = arith.select %eq3A_39, %iota3A, %broadcast_in_dim3A_41 : vector<256x1024xi1>, vector<256x1024xi32>
    %reduce_min3A_43 = arith.constant dense<2147483647> : vector<256xi32>
    %reduce_min3A_44 = vector.multi_reduction <minsi>, %select_n3A_42, %reduce_min3A_43 [1] : vector<256x1024xi32> to vector<256xi32>
    %concatenate3A = tpu.concatenate %reduce_min3A_5, %reduce_min3A_18, %reduce_min3A_31, %reduce_min3A_44 in 0 : vector<256xi32>, vector<256xi32>, vector<256xi32>, vector<256xi32> -> vector<1024xi32>
    %broadcast_in_dim3A_45 = vector.shape_cast %concatenate3A : vector<1024xi32> to vector<1x1x1024xi32>
    %swap3A = arith.constant 0 : index
    %swap3A_46 = arith.constant 0 : index
    %swap3A_47 = arith.constant 0 : index
    %swap3A_48 = vector.load %arg5[%swap3A, %swap3A_46, %swap3A_47] : memref<1x1x1024xi32, #tpu.memory_space<vmem>>, vector<1x1x1024xi32>
    tpu.vector_store %arg5[%swap3A, %swap3A_46, %swap3A_47], %broadcast_in_dim3A_45 {strides = array<i32>} : memref<1x1x1024xi32, #tpu.memory_space<vmem>>, vector<1x1x1024xi32>,
    return
  }
  func.func @transform_0(%arg0: i32) -> (i32, i32) {
    %mul3A = arith.constant 4 : i32
    %mul3A_0 = arith.muli %mul3A, %arg0 : i32
    %c0_i32 = arith.constant 0 : i32
    %c0_i32_1 = arith.constant 0 : i32
    return %mul3A_0, %c0_i32 : i32, i32
  }
  func.func @transform_1(%arg0: i32) -> (i32, i32) {
    %mul3A = arith.constant 4 : i32
    %mul3A_0 = arith.muli %mul3A, %arg0 : i32
    %add3A = arith.constant 1 : i32
    %add3A_1 = arith.addi %mul3A_0, %add3A : i32
    %c0_i32 = arith.constant 0 : i32
    %c0_i32_2 = arith.constant 0 : i32
    return %add3A_1, %c0_i32 : i32, i32
  }
  func.func @transform_2(%arg0: i32) -> (i32, i32) {
    %mul3A = arith.constant 4 : i32
    %mul3A_0 = arith.muli %mul3A, %arg0 : i32
    %add3A = arith.constant 2 : i32
    %add3A_1 = arith.addi %mul3A_0, %add3A : i32
    %c0_i32 = arith.constant 0 : i32
    %c0_i32_2 = arith.constant 0 : i32
    return %add3A_1, %c0_i32 : i32, i32
  }
  func.func @transform_3(%arg0: i32) -> (i32, i32) {
    %mul3A = arith.constant 4 : i32
    %mul3A_0 = arith.muli %mul3A, %arg0 : i32
    %add3A = arith.constant 3 : i32
    %add3A_1 = arith.addi %mul3A_0, %add3A : i32
    %c0_i32 = arith.constant 0 : i32
    %c0_i32_2 = arith.constant 0 : i32
    return %add3A_1, %c0_i32 : i32, i32
  }
  func.func @transform_4(%arg0: i32) -> (i32, i32, i32) {
    %c0_i32 = arith.constant 0 : i32
    %c0_i32_0 = arith.constant 0 : i32
    %c0_i32_1 = arith.constant 0 : i32
    return %arg0, %c0_i32, %c0_i32_0 : i32, i32, i32
  }
}

</mosaic_0001>

<sc_bundles>
// kernel: kernel.5.cloned.1.call-start
scs
__scs_entry_jumppad:
0x0: {  	(pc) =	sbr.rel $0x88, $3  }
0x1: {  	(tag) =	ssettag $0x0;
	lr =	simm.s32 $0x1  }
0x2: {  	[smem:$0x3F9D] =	sst lr;
	_ =	strace $0xD0000000  }
0x3: {  	_ = 	snop  }
0x4: {  	_ = 	snop  }
0x5: {  	_ = 	snop  }
0x6: {  	_ = 	snop  }
0x7: {  	_ = 	snop  }
__scs_overlays_trampoline_lowered:
0x8: {  	[smem:$0x3FAC] =	sst s0  }
0x9: {  	[smem:$0x3FAD] =	sst s1  }
0xa: {  	[smem:$0x3FAE] =	sst s2  }
0xb: {  	[smem:$0x3FAF] =	sst s3  }
0xc: {  	[smem:$0x3FB0] =	sst s4  }
0xd: {  	[smem:$0x3FB1] =	sst s5  }
0xe: {  	[smem:$0x3FB2] =	sst s6  }
0xf: {  	[smem:$0x3FB3] =	sst s7  }
0x10: {  	[smem:$0x3FB4] =	sst s8  }
0x11: {  	[smem:$0x3FB5] =	sst s9;
	s0 =	simm.s32 @!p0 $0x0  }
0x12: {  	s1 =	sld [smem:$0x3F9B];
	s0 =	simm.s32 @p0 $0x1  }
0x13: {  	[smem:$0x3FB6] =	sst s0;
	s0 =	simm.s32 @!p1 $0x0  }
0x14: {  	s2 =	sld [smem:$0x3F9A];
	s0 =	simm.s32 @p1 $0x1  }
0x15: {  	[smem:$0x3FB7] =	sst s0;
	s0 =	simm.s32 @!p2 $0x0  }
0x16: {  	s3 =	sld [smem:$0x3FDB];
	s0 =	simm.s32 @p2 $0x1  }
0x17: {  	s4 =	simm.s32 $0x1BF5;
	[smem:$0x3FB9] =	sst s0  }
0x18: {  	s0 =	sld [smem:$0x3F9C];
	_ =	swait.ge [sflag:s4], $0x0  }
0x19: {  	s7 =	sld [smem:$0x3F9D]  }
0x1a: {  	s8 =	sadd.s32 $0xFFFFE003, lr  }
0x1b: {  	s9 =	sadd.s32 $0xFFFFFEF7, lr;
	s5 =	simm.s32 $0xFFFFFFFF;
	p2 =	slt.u32 s8, $0xFFFFF086  }
0x1c: {  	p1 =	slt.u32 s9, $0xF7A;
	s5 =	simm.s32 @!p2 $0x0  }
0x1d: {  	s5 =	simm.s32 @p1 $0x1;
	p0 =	seq.s32 s7, s2  }
0x1e: {  	s7 =	smul.u32 @!p0 $0xF7A, s2;
	p2 =	seq.s32 @!p0 s5, $0x0  }
0x1f: {  	s9 =	smul.u32 $0xF7A, s1;
	s8 =	simm.s32 @!p0 $0x1BF5;
	p2 =	por !p2, p0  }
0x20: {  	[sflag:s8] =	ssyncset.s32 @!p0 $0xFFFFF086;
	s6 =	sadd.s32 @!p0 s3, s7;
	s7 =	simm.s32 @!p0 $0x108  }
0x21: {  	s3 =	sadd.s32 s3, s9;
	s6 =	sadd.s32 @!p0 $0x88, s6;
	s7 =	simm.s32 @p2 $0x1082  }
0x22: {  	[simem:s7], [sflag:s8] =	dma.local @!p0 [hbm:s6], $0xF7A  }
0x23: {  	s9 =	sor.u32 $0xD0000000, s2;
	s6 =	simm.s32 $0x108;
	_ =	swait.ge @!p0 [sflag:s8], $0x0  }
0x24: {  	s3 =	sadd.s32 $0x88, s3;
	s6 =	simm.s32 @!p1 $0x1082;
	[sflag:s4] =	ssyncset.s32 $0xFFFFF086  }
0x25: {  	[simem:s6], [sflag:s4] =	dma.local [hbm:s3], $0xF7A  }
0x26: {  	[smem:$0x3F9D] =	sst s1;
	(tag) =	ssettag s2;
	_ =	strace s9  }
0x27: {  	s1 =	sld [smem:$0x3FAD]  }
0x28: {  	s2 =	sld [smem:$0x3FAE]  }
0x29: {  	s4 =	sld [smem:$0x3FB0]  }
0x2a: {  	p0 =	seq.s32 s5, $0x0;
	s5 =	sld [smem:$0x3FB1]  }
0x2b: {  	s6 =	sld [smem:$0x3FB2]  }
0x2c: {  	s7 =	sld [smem:$0x3FB3]  }
0x2d: {  	s3 =	simm.s32 $0x108;
	s8 =	sld [smem:$0x3FB4]  }
0x2e: {  	s3 =	simm.s32 @!p0 $0x1082;
	s9 =	sld [smem:$0x3FB5]  }
0x2f: {  	lr =	sadd.s32 s0, s3;
	s0 =	sld [smem:$0x3FAC]  }
0x30: {  	s3 =	sld [smem:$0x3FAF]  }
0x31: {  	[smem:$0x3FB8] =	sst s10  }
0x32: {  	s10 =	sld [smem:$0x3FB6];
	_ =	sdelay $0x3  }
0x33: {  	p0 =	seq.s32 s10, $0x1;
	s10 =	sld [smem:$0x3FB8];
	_ =	sdelay $0x3  }
0x34: {  	[smem:$0x3FB8] =	sst s10  }
0x35: {  	s10 =	sld [smem:$0x3FB7];
	_ =	sdelay $0x3  }
0x36: {  	p1 =	seq.s32 s10, $0x1;
	s10 =	sld [smem:$0x3FB8];
	_ =	sdelay $0x3  }
0x37: {  	[smem:$0x3FB8] =	sst s10  }
0x38: {  	s10 =	sld [smem:$0x3FB9]  }
0x39: {  	_ = 	snop;
	(pc) =	sbr.ind lr, $3  }
0x3a: {  	_ = 	snop  }
0x3b: {  	_ = 	snop  }
0x3c: {  	p2 =	seq.s32 s10, $0x1;
	s10 =	sld [smem:$0x3FB8]  }
0x3d: {  	_ =	shalt  }
0x3e: {  	_ =	shalt  }
0x3f: {  	_ =	shalt  }
0x40: {  	_ =	shalt  }
0x41: {  	_ =	shalt  }
0x42: {  	_ =	shalt  }
0x43: {  	_ =	shalt  }
0x44: {  	_ =	shalt  }
0x45: {  	_ =	shalt  }
0x46: {  	_ =	shalt  }
0x47: {  	_ =	shalt  }
0x48: {  	_ =	shalt  }
0x49: {  	_ =	shalt  }
0x4a: {  	_ =	shalt  }
0x4b: {  	_ =	shalt  }
0x4c: {  	_ =	shalt  }
0x4d: {  	_ =	shalt  }
0x4e: {  	_ =	shalt  }
0x4f: {  	_ =	shalt  }
0x50: {  	_ =	shalt  }
0x51: {  	_ =	shalt  }
0x52: {  	_ =	shalt  }
0x53: {  	_ =	shalt  }
0x54: {  	_ =	shalt  }
0x55: {  	_ =	shalt  }
0x56: {  	_ =	shalt  }
0x57: {  	_ =	shalt  }
0x58: {  	_ =	shalt  }
0x59: {  	_ =	shalt  }
0x5a: {  	_ =	shalt  }
0x5b: {  	_ =	shalt  }
0x5c: {  	_ =	shalt  }
0x5d: {  	_ =	shalt  }
0x5e: {  	_ =	shalt  }
0x5f: {  	_ =	shalt  }
0x60: {  	_ =	shalt  }
0x61: {  	_ =	shalt  }
0x62: {  	_ =	shalt  }
0x63: {  	_ =	shalt  }
0x64: {  	_ =	shalt  }
0x65: {  	_ =	shalt  }
0x66: {  	_ =	shalt  }
0x67: {  	_ =	shalt  }
0x68: {  	_ =	shalt  }
0x69: {  	_ =	shalt  }
0x6a: {  	_ =	shalt  }
0x6b: {  	_ =	shalt  }
0x6c: {  	_ =	shalt  }
0x6d: {  	_ =	shalt  }
0x6e: {  	_ =	shalt  }
0x6f: {  	_ =	shalt  }
0x70: {  	_ =	shalt  }
0x71: {  	_ =	shalt  }
0x72: {  	_ =	shalt  }
0x73: {  	_ =	shalt  }
0x74: {  	_ =	shalt  }
0x75: {  	_ =	shalt  }
0x76: {  	_ =	shalt  }
0x77: {  	_ =	shalt  }
0x78: {  	_ =	shalt  }
0x79: {  	_ =	shalt  }
0x7a: {  	_ =	shalt  }
0x7b: {  	_ =	shalt  }
0x7c: {  	_ =	shalt  }
0x7d: {  	_ =	shalt  }
0x7e: {  	_ =	shalt  }
0x7f: {  	_ =	shalt  }
0x80: {  	_ =	shalt  }
0x81: {  	_ =	shalt  }
0x82: {  	_ =	shalt  }
0x83: {  	_ =	shalt  }
0x84: {  	_ =	shalt  }
0x85: {  	_ =	shalt  }
0x86: {  	_ =	shalt  }
0x87: {  	_ =	shalt  }
.Lfunc_end0:
.L_simem_size_0:
called_computation_lowered:
.L_overlay_start_0:
0x88: {  	s2 =	sld [smem:$0x3FD9]  }
0x89: {  	s3 =	sld [smem:$0x3FFE];
	_ =	sdelay $0x1  }
0x8a: {  	s1 =	srdreg.scid  }
0x8b: {  	s0 =	sand.u32 $0x1, s1  }
0x8c: {  	s16 =	sshll.u32 s0, $0xA;
	s2 =	sadd.s32 s3, s2  }
0x8d: {  	s2 =	sadd.s32 s2, s16  }
0x8e: {  	[smem:$0x3FC4] =	sst s2  }
0x8f: {  	_ = 	snop  }
0x90: {  	(tm) =	ssettm $0x1  }
0x91: {  	s17 =	sld [smem:$0x3FFB];
	_ =	sdelay $0x3  }
0x92: {  	_ =	strace s17  }
0x93: {  	s2 =	sld [smem:$0x3FFC];
	_ =	sdelay $0x3  }
0x94: {  	_ =	strace s2  }
0x95: {  	s2 =	sld [smem:$0x3FFD];
	_ =	sdelay $0x3  }
0x96: {  	_ =	strace s2  }
0x97: {  	_ =	strace $0x8FFFFFFF  }
0x98: {  	s18 =	sld [smem:$0x3FDB];
	_ =	sdelay $0x1  }
0x99: {  	s19 =	simm.s32 $_scs_section_size  }
0x9a: {  	s4 =	simm.s32 $_size__tile_overlayer_lowered;
	s5 =	simm.s32 $_tile_overlayer_lowered  }
0x9b: {  	s22 =	simm.s32 $0x1BFF;
	s21 =	sshll.u32 s5, $0x1;
	s2 =	sadd.s32 s19, s18  }
0x9c: {  	s6 =	simm.s32 $0x0;
	s20 =	sshll.u32 s4, $0x1;
	s4 =	sadd.s32 s21, s2  }
0x9d: {  	[timem:s6], [sflag:s22] =	dma.local [hbm:s4], s20  }
0x9e: {  	_ =	swait.ge [sflag:s22], s20  }
0x9f: {  	s3 =	ssub.s32 $0x0, s20;
	[sflag:s22] =	ssyncset.done $0x0  }
0xa0: {  	[sflag:s22] =	ssyncadd.s32 s3;
	_ =	sdelay $0x1  }
0xa1: {  	s23 =	simm.s32 $0x1B8B  }
0xa2: {  	_ =	swait.ge [sflag:s23], $0x1  }
0xa3: {  	[sflag:s23] =	ssyncset.done $0x0  }
0xa4: {  	s25 =	simm.s32 $0x1B8E;
	s24 =	sld [smem:$0x3FFE];
	[sflag:s23] =	ssyncadd.s32 $0xFFFFFFFF  }
0xa5: {  	s26 =	simm.s32 $execute0_lowered;
	[smem:$0x3FD2] =	sst s25  }
0xa6: {  	s4 =	sshll.u32 s26, $0x1;
	_ =	strace $0x80000046;
	[dreg:$0x1] =	wrdreg $0xFFFFFFFF  }
0xa7: {  	s28 =	simm.s32 $_size_execute0_lowered;
	s2 =	sadd.s32 s2, s4;
	[dreg:$0x0] =	wrdreg $0x0  }
0xa8: {  	s4 =	sshll.u32 s28, $0x1;
	[dreg:$0x2] =	wrdreg s2  }
0xa9: {  	[dreg:$0x3] =	wrdreg s4  }
0xaa: {  	[dreg:$0x4] =	wrdreg $0xC0  }
0xab: {  	_ =	task [dreg:s6], $0x5FFFF  }
0xac: {  	[dreg:$0x1] =	wrdreg $0xFFFFFFFF  }
0xad: {  	[dreg:$0x0] =	wrdreg $0x60  }
0xae: {  	[dreg:$0x2] =	wrdreg s24  }
0xaf: {  	[dreg:$0x3] =	wrdreg $0x141000  }
0xb0: {  	[dreg:$0x4] =	wrdreg $0x9  }
0xb1: {  	_ =	task.clear_ibuf [dreg:s6], $0x5FFFF;
	_ =	strace $0x90000046  }
0xb2: {  	s29 =	simm.s32 $0x9;
	_ =	strace $0x80000048  }
0xb3: {  	_ =	swait.ge [sflag:s29], $0x1  }
0xb4: {  	[sflag:s29] =	ssyncadd.s32 $0xFFFFFFFF  }
0xb5: {  	_ =	strace $0x90000048  }
0xb6: {  	_ =	sfence  }
0xb7: {  	s30 =	sld [smem:$0x0];
	_ =	sdelay $0x2  }
0xb8: {  	s31 =	sshll.u32 s1, $0xD;
	s1 =	sshrl.u32 s1, $0x2  }
0xb9: {  	s3 =	sand.u32 $0x4000, s31;
	s1 =	sadd.s32 s1, s30  }
0xba: {  	s0 =	sor.u32 s3, s0;
	s1 =	sshll.u32 s1, $0x11  }
0xbb: {  	s0 =	sor.u32 s1, s0  }
0xbc: {  	s0 =	sadd.s32 $0x8F2B, s0  }
0xbd: {  	[sflag:s0] =	ssyncadd.remote.s32 $0x1  }
0xbe: {  	_ =	sfence.sel $0xFFFF  }
0xbf: {  	[dreg:$0x0] =	wrdreg $0xFFFFFFFF;
	(pc) =	sbr.abs _section_cstart, $3  }
0xc0: {  	[dreg:$0x1] =	wrdreg $0xFFFFFFFF  }
0xc1: {  	_ =	task.clear_ibuf [dreg:s6], $0x2FFFF;
	_ =	strace $0x9FFFFFFF  }
0xc2: {  	(tm) =	ssettm $0x7FFFFFFF  }
0xc3: {  	_ =	shalt  }
tec
execute0_lowered:
.L_overlay_start_1:
0x0: {  	(tag) =	ssettag $0x1  }
0x1: {  	s4 =	rddreg [dreg:$0x0]  }
0x2: {  	s1 =	rddreg [dreg:$0x1]  }
0x3: {  	s0 =	rddreg [dreg:$0x2];
	s2 =	simm.s32 $0x0;
	s3 =	srdreg.scid  }
0x4: {  	s14 =	simm.s32 $0x45800;
	s15 =	simm.s32 $0x100;
	s16 =	simm.s32 $0x8100  }
0x5: {  	s17 =	simm.s32 $0x0;
	[smem:$0x7FF] =	sst s2;
	s5 =	sand.u32 $0x1, s3  }
0x6: {  	s8 =	sadd.s32 $0x41000, s4;
	s3 =	stileid.u32;
	s9 =	sadd.s32 $0x1000, s4  }
0x7: {  	_ =	strace $0x80000047;
	s6 =	ssub.s32 $0x2, s5;
	s7 =	sshll.u32 s3, $0xA  }
0x8: {  	s26 =	sshll.u32 s5, $0x9;
	p0 =	seq.s32 s5, $0x0;
	s28 =	sshll.u32 s3, $0xD  }
0x9: {  	s10 =	sshrl.u32 s6, $0x1;
	s11 =	sadd.s32 s7, s4;
	s7 =	sor.u32 s26, s7  }
0xa: {  	s5 =	sadd.s32 s28, s1;
	s14 =	simm.s32 @!p0 $0x49800;
	s10 =	ssub.s32 s6, s10  }
0xb: {  	s4 =	sadd.s32 $0x41800, s11;
	s29 =	sshrl.u32 s7, $0x3;
	s12 =	sshll.u32 s7, $0x4  }
0xc: {  	s13 =	sor.u32 $0x100, s7;
	s11 =	sadd.s32 s14, s11;
	s14 =	simm.s32 $0x10100  }
0xd: {  	s6 =	sadd.s32 s8, s29;
	s7 =	sadd.s32 s9, s12;
	s30 =	sshrl.u32 s13, $0x3  }
0xe: {  	s31 =	sshll.u32 s13, $0x4;
	s10 =	smax.u32 s10, $0x1;
	s12 =	simm.s32 $0x12100  }
0xf: {  	v0 =	vimm.f32 $0.0e+00;
	s13 =	simm.s32 $0x1;
	s8 =	sadd.s32 s8, s30;
	s9 =	sadd.s32 s9, s31  }
.LBB2_1:
0x10: {  	[tilespmem:s12], [sflag:$0x1] =	stream.linear.gather [hbm4b:s4+s2], $0x2000, $0x38;
	[tilespmem:$0x16100] =	vst v63  }
0x11: {  	_ =	swait.ge [sflag:s13], $0x2000  }
0x12: {  	[sflag:s13] =	ssyncset.done $0x0  }
0x13: {  	s18 =	simm.s32 $0x0;
	[sflag:s13] =	ssyncadd.s32 $0xFFFFE000  }
0x14: {  	v2 =	vld [tilespmem:s18+$0x12130]  }
0x15: {  	v3 =	vld [tilespmem:s18+$0x12100]  }
0x16: {  	v4 =	vld [tilespmem:s18+$0x12110];
	[tilespmem:s18+$0x10140] =	vst v0  }
0x17: {  	v1 =	vld [tilespmem:s18+$0x12120];
	[tilespmem:s18+$0x10150] =	vst v0  }
0x18: {  	[tilespmem:s18+$0x10160] =	vst v0  }
0x19: {  	[tilespmem:s18+$0x10170] =	vst v0;
	v2 =	vpsel !p0, $0x0, v2  }
0x1a: {  	v3 =	vpsel !p0, $0x0, v3;
	[tilespmem:s18+$0x10130] =	vst v2  }
0x1b: {  	s19 =	simm.s32 $0x80;
	s20 =	simm.s32 $0x400;
	[tilespmem:s18+$0x10100] =	vst v3;
	v2 =	vpsel !p0, $0x0, v4  }
.LBB2_2:
0x1c: {  	p1 =	sne.s32 s20, $0x7E00;
	v3 =	vld [tilespmem:s19+$0x12130];
	[tilespmem:s18+$0x10110] =	vst v2;
	v1 =	vpsel !p0, $0x0, v1  }
0x1d: {  	v2 =	vld [tilespmem:s19+$0x12100];
	[tilespmem:s18+$0x10120] =	vst v1;
	s18 =	smov.u32 s19  }
0x1e: {  	v4 =	vld [tilespmem:s18+$0x12110];
	[tilespmem:s18+$0x10140] =	vst v0  }
.Ltmp0:
0x1f: {  	v1 =	vld [tilespmem:s18+$0x12120];
	[tilespmem:s18+$0x10150] =	vst v0;
	(pc) =	sbr.rel @p1 .LBB2_2-.Ltmp0, $4  }
0x20: {  	[tilespmem:s18+$0x10160] =	vst v0  }
0x21: {  	v3 =	vpsel !p0, $0x0, v3;
	[tilespmem:s18+$0x10170] =	vst v0  }
0x22: {  	v2 =	vpsel !p0, $0x0, v2;
	[tilespmem:s18+$0x10130] =	vst v3  }
0x23: {  	s19 =	sshra.s32 s20, $0x2;
	s20 =	sadd.s32 $0x200, s20;
	[tilespmem:s18+$0x10100] =	vst v2;
	v2 =	vpsel !p0, $0x0, v4  }
0x24: {  	v3 =	vld [tilespmem:s19+$0x12130];
	[tilespmem:s18+$0x10110] =	vst v2;
	v1 =	vpsel !p0, $0x0, v1  }
0x25: {  	v2 =	vld [tilespmem:s19+$0x12100];
	[tilespmem:s18+$0x10120] =	vst v1  }
0x26: {  	v1 =	vld [tilespmem:s19+$0x12110];
	[tilespmem:s19+$0x10140] =	vst v0  }
0x27: {  	v4 =	vld [tilespmem:s19+$0x12120];
	[tilespmem:s19+$0x10150] =	vst v0  }
0x28: {  	[tilespmem:s19+$0x10160] =	vst v0  }
0x29: {  	[tilespmem:s19+$0x10170] =	vst v0;
	v3 =	vpsel !p0, $0x0, v3  }
0x2a: {  	v2 =	vpsel !p0, $0x0, v2;
	[tilespmem:s19+$0x10130] =	vst v3  }
0x2b: {  	[tilespmem:s19+$0x10100] =	vst v2;
	v1 =	vpsel !p0, $0x0, v1  }
0x2c: {  	[tilespmem:s19+$0x10110] =	vst v1;
	v1 =	vpsel !p0, $0x0, v4  }
0x2d: {  	[tilespmem:s19+$0x10120] =	vst v1  }
0x2e: {  	[spmem:s5] =	stream.linear.scatter [tilespmem:s14], [sflag:$0x1], $0x2000, $0x38;
	[tilespmem:$0x16100] =	vst v63  }
0x2f: {  	_ =	swait.ge [sflag:s13], $0x2000  }
0x30: {  	[sflag:s13] =	ssyncset.done $0x0  }
0x31: {  	s18 =	simm.s32 $0xFFFF8000;
	s19 =	simm.s32 $0xFFFE0200;
	[sflag:s13] =	ssyncadd.s32 $0xFFFFE000  }
.LBB2_4:
0x32: {  	p1 =	sne.s32 s19, $0xFFFFFE00;
	[tilespmem:s18+$0x10170] =	vst v0;
	s20 =	smov.u32 s19;
	s19 =	sadd.s32 $0x200, s19  }
.Ltmp1:
0x33: {  	[tilespmem:s18+$0x10160] =	vst v0;
	(pc) =	sbr.rel @p1 .LBB2_4-.Ltmp1, $3  }
0x34: {  	[tilespmem:s18+$0x10140] =	vst v0  }
0x35: {  	[tilespmem:s18+$0x10150] =	vst v0;
	_ =	sdelay $0x1  }
0x36: {  	s18 =	sshra.s32 s20, $0x2  }
0x37: {  	[tilespmem:s18+$0x10170] =	vst v0  }
0x38: {  	[tilespmem:s18+$0x10160] =	vst v0  }
0x39: {  	[tilespmem:s18+$0x10140] =	vst v0  }
0x3a: {  	[tilespmem:s18+$0x10150] =	vst v0  }
0x3b: {  	s31 =	simm.s32 $0x0;
	[bflag:$0x0] =	sbarrier.arrive $0xFFFF  }
0x3c: {  	[tilespmem:s31], [sflag:$0x1] =	stream.linear.gather [hbm4b:s6+s31], $0x100, $0x38;
	[tilespmem:$0x16100] =	vst v63  }
0x3d: {  	_ =	swait.ge [sflag:s13], $0x100  }
0x3e: {  	[sflag:s13] =	ssyncset.done $0x0  }
0x3f: {  	[sflag:s13] =	ssyncadd.s32 $0xFFFFFF00  }
0x40: {  	[tilespmem:s15], [sflag:$0x1] =	stream.linear.gather [hbm4b:s7+s31], $0x8000, $0x38;
	[tilespmem:$0x16100] =	vst v63  }
0x41: {  	_ =	swait.ge [sflag:s13], $0x8000  }
0x42: {  	[sflag:s13] =	ssyncset.done $0x0  }
0x43: {  	s19 =	simm.s32 $0x0;
	[sflag:s13] =	ssyncadd.s32 $0xFFFF8000  }
0x44: {  	v1 =	vld [tilespmem:s19+$0x130]  }
0x45: {  	v4 =	vld [tilespmem:s19+$0x100]  }
0x46: {  	v5 =	vld [tilespmem:s19+$0x110]  }
0x47: {  	v6 =	vld [tilespmem:s19+$0x120];
	_ =	sdelay $0x1  }
0x48: {  	s18 =	simm.s32 $0x80;
	vm0 =	vlt.f32 v1, $0.0e+00  }
0x49: {  	v2 =	vld [tilespmem:s18+$0x130];
	vm1 =	vlt.f32 v4, $0.0e+00;
	vm2 =	vgt.f32 v1, $0.0e+00;
	v3 =	vsel vm0, $0xBF800000, v0  }
0x4a: {  	v1 =	vld [tilespmem:s18+$0x100];
	vm12 =	vlt.f32 v5, $0.0e+00;
	vm13 =	vgt.f32 v4, $0.0e+00;
	v8 =	vsel vm2, $0x3F800000, v3  }
0x4b: {  	vm14 =	vlt.f32 v6, $0.0e+00;
	vm15 =	vgt.f32 v5, $0.0e+00;
	vm3 =	vgt.f32 v6, $0.0e+00;
	v3 =	vld [tilespmem:s18+$0x110];
	[tilespmem:s19+$0x8130] =	vst v8  }
0x4c: {  	v7 =	vsel vm1, $0xBF800000, v0;
	v9 =	vsel vm12, $0xBF800000, v0;
	v5 =	vsel vm14, $0xBF800000, v0;
	v4 =	vld [tilespmem:s18+$0x120]  }
0x4d: {  	s20 =	simm.s32 $0x400;
	v7 =	vsel vm13, $0x3F800000, v7;
	v6 =	vsel vm15, $0x3F800000, v9;
	v5 =	vsel vm3, $0x3F800000, v5  }
.LBB2_6:
0x4e: {  	s21 =	sshra.s32 s20, $0x2;
	p1 =	sne.s32 s20, $0x1FE00;
	s20 =	sadd.s32 $0x200, s20;
	vm0 =	vlt.f32 v2, $0.0e+00;
	[tilespmem:s19+$0x8100] =	vst v7  }
.Ltmp2:
0x4f: {  	vm2 =	vgt.f32 v2, $0.0e+00;
	vm1 =	vlt.f32 v1, $0.0e+00;
	v2 =	vld [tilespmem:s21+$0x130];
	v7 =	vsel vm0, $0xBF800000, v0;
	[tilespmem:s19+$0x8110] =	vst v6;
	v6 =	vmovc v1;
	(pc) =	sbr.rel @p1 .LBB2_6-.Ltmp2, $4  }
0x50: {  	v1 =	vld [tilespmem:s21+$0x100];
	v8 =	vsel vm1, $0xBF800000, v0;
	vm0 =	vlt.f32 v3, $0.0e+00;
	v7 =	vsel vm2, $0x3F800000, v7;
	[tilespmem:s19+$0x8120] =	vst v5;
	v5 =	vmovc v3;
	s19 =	smov.u32 s18;
	s18 =	smov.u32 s21  }
0x51: {  	vm1 =	vgt.f32 v6, $0.0e+00;
	v3 =	vld [tilespmem:s18+$0x110];
	v6 =	vsel vm0, $0xBF800000, v0;
	vm0 =	vlt.f32 v4, $0.0e+00;
	[tilespmem:s19+$0x8130] =	vst v7  }
0x52: {  	vm2 =	vgt.f32 v5, $0.0e+00;
	vm3 =	vgt.f32 v4, $0.0e+00;
	v4 =	vld [tilespmem:s18+$0x120];
	v5 =	vsel vm0, $0xBF800000, v0  }
0x53: {  	v7 =	vsel vm1, $0x3F800000, v8;
	v6 =	vsel vm2, $0x3F800000, v6;
	v5 =	vsel vm3, $0x3F800000, v5  }
0x54: {  	_ = 	snop  }
0x55: {  	vm0 =	vlt.f32 v2, $0.0e+00;
	[tilespmem:s19+$0x8100] =	vst v7;
	vm2 =	vgt.f32 v2, $0.0e+00;
	vm1 =	vlt.f32 v1, $0.0e+00  }
0x56: {  	[tilespmem:s19+$0x8110] =	vst v6;
	v2 =	vsel vm0, $0xBF800000, v0;
	vm5 =	vgt.f32 v1, $0.0e+00;
	v6 =	vsel vm1, $0xBF800000, v0  }
0x57: {  	[tilespmem:s19+$0x8120] =	vst v5;
	vm4 =	vlt.f32 v3, $0.0e+00;
	v2 =	vsel vm2, $0x3F800000, v2;
	vm7 =	vgt.f32 v3, $0.0e+00  }
0x58: {  	v1 =	vsel vm4, $0xBF800000, v0;
	vm6 =	vlt.f32 v4, $0.0e+00;
	[tilespmem:s18+$0x8130] =	vst v2;
	v2 =	vsel vm5, $0x3F800000, v6  }
0x59: {  	vm8 =	vgt.f32 v4, $0.0e+00;
	v3 =	vsel vm6, $0xBF800000, v0;
	v1 =	vsel vm7, $0x3F800000, v1;
	[tilespmem:s18+$0x8100] =	vst v2  }
0x5a: {  	v2 =	vsel vm8, $0x3F800000, v3;
	[tilespmem:s18+$0x8110] =	vst v1  }
0x5b: {  	s31 =	simm.s32 $0x0;
	[tilespmem:s18+$0x8120] =	vst v2  }
0x5c: {  	[spmem:s1] =	stream.indirect.scatter.add.f32 [tilespmem:s16], [sflag:$0x1], $0x80, s31, s15, $0xb8;
	[tilespmem:$0x16100] =	vst v63  }
0x5d: {  	_ =	swait.ge [sflag:s13], $0x8000  }
0x5e: {  	[sflag:s13] =	ssyncset.done $0x0  }
0x5f: {  	[sflag:s13] =	ssyncadd.s32 $0xFFFF8000  }
0x60: {  	[tilespmem:s31], [sflag:$0x1] =	stream.linear.gather [hbm4b:s8+s31], $0x100, $0x38;
	[tilespmem:$0x16100] =	vst v63  }
0x61: {  	_ =	swait.ge [sflag:s13], $0x100  }
0x62: {  	[sflag:s13] =	ssyncset.done $0x0  }
0x63: {  	[sflag:s13] =	ssyncadd.s32 $0xFFFFFF00  }
0x64: {  	[tilespmem:s15], [sflag:$0x1] =	stream.linear.gather [hbm4b:s9+s31], $0x8000, $0x38;
	[tilespmem:$0x16100] =	vst v63  }
0x65: {  	_ =	swait.ge [sflag:s13], $0x8000  }
0x66: {  	[sflag:s13] =	ssyncset.done $0x0  }
0x67: {  	s19 =	simm.s32 $0x0;
	[sflag:s13] =	ssyncadd.s32 $0xFFFF8000  }
0x68: {  	v1 =	vld [tilespmem:s19+$0x130]  }
0x69: {  	v4 =	vld [tilespmem:s19+$0x100]  }
0x6a: {  	v5 =	vld [tilespmem:s19+$0x110]  }
0x6b: {  	v6 =	vld [tilespmem:s19+$0x120];
	_ =	sdelay $0x1  }
0x6c: {  	s18 =	simm.s32 $0x80;
	vm9 =	vlt.f32 v1, $0.0e+00  }
0x6d: {  	v2 =	vld [tilespmem:s18+$0x130];
	vm10 =	vlt.f32 v4, $0.0e+00;
	vm11 =	vgt.f32 v1, $0.0e+00;
	v3 =	vsel vm9, $0xBF800000, v0  }
0x6e: {  	v1 =	vld [tilespmem:s18+$0x100];
	vm12 =	vlt.f32 v5, $0.0e+00;
	vm13 =	vgt.f32 v4, $0.0e+00;
	v8 =	vsel vm11, $0x3F800000, v3  }
0x6f: {  	vm14 =	vlt.f32 v6, $0.0e+00;
	vm15 =	vgt.f32 v5, $0.0e+00;
	vm3 =	vgt.f32 v6, $0.0e+00;
	v3 =	vld [tilespmem:s18+$0x110];
	[tilespmem:s19+$0x8130] =	vst v8  }
0x70: {  	v7 =	vsel vm10, $0xBF800000, v0;
	v9 =	vsel vm12, $0xBF800000, v0;
	v5 =	vsel vm14, $0xBF800000, v0;
	v4 =	vld [tilespmem:s18+$0x120]  }
0x71: {  	s20 =	simm.s32 $0x400;
	v7 =	vsel vm13, $0x3F800000, v7;
	v6 =	vsel vm15, $0x3F800000, v9;
	v5 =	vsel vm3, $0x3F800000, v5  }
.LBB2_8:
0x72: {  	s21 =	sshra.s32 s20, $0x2;
	p1 =	sne.s32 s20, $0x1FE00;
	s20 =	sadd.s32 $0x200, s20;
	vm0 =	vlt.f32 v2, $0.0e+00;
	[tilespmem:s19+$0x8100] =	vst v7  }
.Ltmp3:
0x73: {  	vm2 =	vgt.f32 v2, $0.0e+00;
	vm1 =	vlt.f32 v1, $0.0e+00;
	v2 =	vld [tilespmem:s21+$0x130];
	v7 =	vsel vm0, $0xBF800000, v0;
	[tilespmem:s19+$0x8110] =	vst v6;
	v6 =	vmovc v1;
	(pc) =	sbr.rel @p1 .LBB2_8-.Ltmp3, $4  }
0x74: {  	v1 =	vld [tilespmem:s21+$0x100];
	v8 =	vsel vm1, $0xBF800000, v0;
	vm0 =	vlt.f32 v3, $0.0e+00;
	v7 =	vsel vm2, $0x3F800000, v7;
	[tilespmem:s19+$0x8120] =	vst v5;
	v5 =	vmovc v3;
	s19 =	smov.u32 s18;
	s18 =	smov.u32 s21  }
0x75: {  	vm1 =	vgt.f32 v6, $0.0e+00;
	v3 =	vld [tilespmem:s18+$0x110];
	v6 =	vsel vm0, $0xBF800000, v0;
	vm0 =	vlt.f32 v4, $0.0e+00;
	[tilespmem:s19+$0x8130] =	vst v7  }
0x76: {  	vm2 =	vgt.f32 v5, $0.0e+00;
	vm3 =	vgt.f32 v4, $0.0e+00;
	v4 =	vld [tilespmem:s18+$0x120];
	v5 =	vsel vm0, $0xBF800000, v0  }
0x77: {  	v7 =	vsel vm1, $0x3F800000, v8;
	v6 =	vsel vm2, $0x3F800000, v6;
	v5 =	vsel vm3, $0x3F800000, v5  }
0x78: {  	_ = 	snop  }
0x79: {  	vm0 =	vlt.f32 v2, $0.0e+00;
	[tilespmem:s19+$0x8100] =	vst v7;
	vm2 =	vgt.f32 v2, $0.0e+00;
	vm1 =	vlt.f32 v1, $0.0e+00  }
0x7a: {  	[tilespmem:s19+$0x8110] =	vst v6;
	v2 =	vsel vm0, $0xBF800000, v0;
	vm12 =	vgt.f32 v1, $0.0e+00;
	v63 =	vsel vm1, $0xBF800000, v0  }
0x7b: {  	[tilespmem:s19+$0x8120] =	vst v5;
	vm11 =	vlt.f32 v3, $0.0e+00;
	v2 =	vsel vm2, $0x3F800000, v2;
	vm14 =	vgt.f32 v3, $0.0e+00  }
0x7c: {  	v1 =	vsel vm11, $0xBF800000, v0;
	vm13 =	vlt.f32 v4, $0.0e+00;
	[tilespmem:s18+$0x8130] =	vst v2;
	v2 =	vsel vm12, $0x3F800000, v63  }
0x7d: {  	vm15 =	vgt.f32 v4, $0.0e+00;
	v3 =	vsel vm13, $0xBF800000, v0;
	v1 =	vsel vm14, $0x3F800000, v1;
	[tilespmem:s18+$0x8100] =	vst v2  }
0x7e: {  	v2 =	vsel vm15, $0x3F800000, v3;
	[tilespmem:s18+$0x8110] =	vst v1  }
0x7f: {  	[tilespmem:s18+$0x8120] =	vst v2  }
0x80: {  	[spmem:s1] =	stream.indirect.scatter.add.f32 [tilespmem:s16], [sflag:$0x1], $0x80, s2, s15, $0xb8;
	[tilespmem:$0x16100] =	vst v63  }
0x81: {  	_ =	swait.ge [sflag:s13], $0x8000  }
0x82: {  	s30 =	sshll.u32 s3, $0x6;
	s17 =	sadd.s32 $0x1, s17;
	[sflag:s13] =	ssyncset.done $0x0  }
0x83: {  	s31 =	sshrl.u32 s5, $0x3;
	p1 =	sne.s32 s17, s10;
	[sflag:s13] =	ssyncadd.s32 $0xFFFF8000  }
.Ltmp4:
0x84: {  	s18 =	sor.u32 $0x1C01, s30;
	[bflag:$0x0] =	sbarrier.arrive $0xFFFF;
	(pc) =	sbr.rel @p1 .LBB2_1-.Ltmp4, $4  }
0x85: {  	[hbm:s11], [sflag:s18] =	dma.local [spmem:s31], $0x400  }
0x86: {  	_ =	swait.ge [sflag:s13], $0x400  }
0x87: {  	[sflag:s13] =	ssyncset.done $0x0  }
0x88: {  	[sflag:s13] =	ssyncadd.s32 $0xFFFFFC00  }
0x89: {  	_ =	sfence.sel $0x180000  }
0x8a: {  	[bflag:$0x0] =	sbarrier.arrive $0xFFFF  }
0x8b: {  	p0 =	sne.s32 s3, $0x0;
	_ =	strace $0x90000047  }
0x8c: {  	s0 =	sadd.s32 @!p0 $0x100000, s0;
	[bflag:$0x2] =	sbarrier.arrive $0xFFFF  }
0x8d: {  	[sflag:s0] =	ssyncadd.tile.s32 @!p0 $0x1;
	_ =	shalt  }
.Lfunc_end2:
_tile_overlayer_lowered:
.L_overlay_start_2:
0x8e: {  	(tag) =	ssettag $0x2  }
0x8f: {  	s0 =	rddreg [dreg:$0x0];
	s2 =	stileid.u32  }
0x90: {  	s1 =	rddreg [dreg:$0x1];
	p0 =	sne.s32 s2, $0x0  }
0x91: {  	s3 =	rddreg [dreg:$0x2];
	[bflag:$0x3] =	sbarrier.arrive $0xFFFF;
	s2 =	simm.s32 @!p0 $0x1C01  }
0x92: {  	[timem:s3], [sflag:s2] =	dma.local @!p0 [hbm:s0], s1  }
0x93: {  	s0 =	simm.s32 @!p0 $0x1  }
0x94: {  	_ =	swait.ge @!p0 [sflag:s0], s1  }
0x95: {  	s1 =	ssub.s32 @!p0 $0x0, s1;
	[sflag:s0] =	ssyncset.done @!p0 $0x0  }
0x96: {  	[sflag:s0] =	ssyncadd.s32 @!p0 s1  }
0x97: {  	[bflag:$0x3] =	sbarrier.arrive $0xFFFF  }
0x98: {  	_ =	shalt  }

// kernel: kernel.8.cloned.1.call-start
scs
__scs_entry_jumppad:
0x0: {  	(pc) =	sbr.rel $0x88, $3  }
0x1: {  	(tag) =	ssettag $0x0;
	lr =	simm.s32 $0x1  }
0x2: {  	[smem:$0x3F9D] =	sst lr;
	_ =	strace $0xD0000000  }
0x3: {  	_ = 	snop  }
0x4: {  	_ = 	snop  }
0x5: {  	_ = 	snop  }
0x6: {  	_ = 	snop  }
0x7: {  	_ = 	snop  }
__scs_overlays_trampoline_lowered:
0x8: {  	[smem:$0x3FAC] =	sst s0  }
0x9: {  	[smem:$0x3FAD] =	sst s1  }
0xa: {  	[smem:$0x3FAE] =	sst s2  }
0xb: {  	[smem:$0x3FAF] =	sst s3  }
0xc: {  	[smem:$0x3FB0] =	sst s4  }
0xd: {  	[smem:$0x3FB1] =	sst s5  }
0xe: {  	[smem:$0x3FB2] =	sst s6  }
0xf: {  	[smem:$0x3FB3] =	sst s7  }
0x10: {  	[smem:$0x3FB4] =	sst s8  }
0x11: {  	[smem:$0x3FB5] =	sst s9;
	s0 =	simm.s32 @!p0 $0x0  }
0x12: {  	s1 =	sld [smem:$0x3F9B];
	s0 =	simm.s32 @p0 $0x1  }
0x13: {  	[smem:$0x3FB6] =	sst s0;
	s0 =	simm.s32 @!p1 $0x0  }
0x14: {  	s2 =	sld [smem:$0x3F9A];
	s0 =	simm.s32 @p1 $0x1  }
0x15: {  	[smem:$0x3FB7] =	sst s0;
	s0 =	simm.s32 @!p2 $0x0  }
0x16: {  	s3 =	sld [smem:$0x3FDB];
	s0 =	simm.s32 @p2 $0x1  }
0x17: {  	s4 =	simm.s32 $0x1BF5;
	[smem:$0x3FB9] =	sst s0  }
0x18: {  	s0 =	sld [smem:$0x3F9C];
	_ =	swait.ge [sflag:s4], $0x0  }
0x19: {  	s7 =	sld [smem:$0x3F9D]  }
0x1a: {  	s8 =	sadd.s32 $0xFFFFE003, lr  }
0x1b: {  	s9 =	sadd.s32 $0xFFFFFEF7, lr;
	s5 =	simm.s32 $0xFFFFFFFF;
	p2 =	slt.u32 s8, $0xFFFFF086  }
0x1c: {  	p1 =	slt.u32 s9, $0xF7A;
	s5 =	simm.s32 @!p2 $0x0  }
0x1d: {  	s5 =	simm.s32 @p1 $0x1;
	p0 =	seq.s32 s7, s2  }
0x1e: {  	s7 =	smul.u32 @!p0 $0xF7A, s2;
	p2 =	seq.s32 @!p0 s5, $0x0  }
0x1f: {  	s9 =	smul.u32 $0xF7A, s1;
	s8 =	simm.s32 @!p0 $0x1BF5;
	p2 =	por !p2, p0  }
0x20: {  	[sflag:s8] =	ssyncset.s32 @!p0 $0xFFFFF086;
	s6 =	sadd.s32 @!p0 s3, s7;
	s7 =	simm.s32 @!p0 $0x108  }
0x21: {  	s3 =	sadd.s32 s3, s9;
	s6 =	sadd.s32 @!p0 $0x88, s6;
	s7 =	simm.s32 @p2 $0x1082  }
0x22: {  	[simem:s7], [sflag:s8] =	dma.local @!p0 [hbm:s6], $0xF7A  }
0x23: {  	s9 =	sor.u32 $0xD0000000, s2;
	s6 =	simm.s32 $0x108;
	_ =	swait.ge @!p0 [sflag:s8], $0x0  }
0x24: {  	s3 =	sadd.s32 $0x88, s3;
	s6 =	simm.s32 @!p1 $0x1082;
	[sflag:s4] =	ssyncset.s32 $0xFFFFF086  }
0x25: {  	[simem:s6], [sflag:s4] =	dma.local [hbm:s3], $0xF7A  }
0x26: {  	[smem:$0x3F9D] =	sst s1;
	(tag) =	ssettag s2;
	_ =	strace s9  }
0x27: {  	s1 =	sld [smem:$0x3FAD]  }
0x28: {  	s2 =	sld [smem:$0x3FAE]  }
0x29: {  	s4 =	sld [smem:$0x3FB0]  }
0x2a: {  	p0 =	seq.s32 s5, $0x0;
	s5 =	sld [smem:$0x3FB1]  }
0x2b: {  	s6 =	sld [smem:$0x3FB2]  }
0x2c: {  	s7 =	sld [smem:$0x3FB3]  }
0x2d: {  	s3 =	simm.s32 $0x108;
	s8 =	sld [smem:$0x3FB4]  }
0x2e: {  	s3 =	simm.s32 @!p0 $0x1082;
	s9 =	sld [smem:$0x3FB5]  }
0x2f: {  	lr =	sadd.s32 s0, s3;
	s0 =	sld [smem:$0x3FAC]  }
0x30: {  	s3 =	sld [smem:$0x3FAF]  }
0x31: {  	[smem:$0x3FB8] =	sst s10  }
0x32: {  	s10 =	sld [smem:$0x3FB6];
	_ =	sdelay $0x3  }
0x33: {  	p0 =	seq.s32 s10, $0x1;
	s10 =	sld [smem:$0x3FB8];
	_ =	sdelay $0x3  }
0x34: {  	[smem:$0x3FB8] =	sst s10  }
0x35: {  	s10 =	sld [smem:$0x3FB7];
	_ =	sdelay $0x3  }
0x36: {  	p1 =	seq.s32 s10, $0x1;
	s10 =	sld [smem:$0x3FB8];
	_ =	sdelay $0x3  }
0x37: {  	[smem:$0x3FB8] =	sst s10  }
0x38: {  	s10 =	sld [smem:$0x3FB9]  }
0x39: {  	_ = 	snop;
	(pc) =	sbr.ind lr, $3  }
0x3a: {  	_ = 	snop  }
0x3b: {  	_ = 	snop  }
0x3c: {  	p2 =	seq.s32 s10, $0x1;
	s10 =	sld [smem:$0x3FB8]  }
0x3d: {  	_ =	shalt  }
0x3e: {  	_ =	shalt  }
0x3f: {  	_ =	shalt  }
0x40: {  	_ =	shalt  }
0x41: {  	_ =	shalt  }
0x42: {  	_ =	shalt  }
0x43: {  	_ =	shalt  }
0x44: {  	_ =	shalt  }
0x45: {  	_ =	shalt  }
0x46: {  	_ =	shalt  }
0x47: {  	_ =	shalt  }
0x48: {  	_ =	shalt  }
0x49: {  	_ =	shalt  }
0x4a: {  	_ =	shalt  }
0x4b: {  	_ =	shalt  }
0x4c: {  	_ =	shalt  }
0x4d: {  	_ =	shalt  }
0x4e: {  	_ =	shalt  }
0x4f: {  	_ =	shalt  }
0x50: {  	_ =	shalt  }
0x51: {  	_ =	shalt  }
0x52: {  	_ =	shalt  }
0x53: {  	_ =	shalt  }
0x54: {  	_ =	shalt  }
0x55: {  	_ =	shalt  }
0x56: {  	_ =	shalt  }
0x57: {  	_ =	shalt  }
0x58: {  	_ =	shalt  }
0x59: {  	_ =	shalt  }
0x5a: {  	_ =	shalt  }
0x5b: {  	_ =	shalt  }
0x5c: {  	_ =	shalt  }
0x5d: {  	_ =	shalt  }
0x5e: {  	_ =	shalt  }
0x5f: {  	_ =	shalt  }
0x60: {  	_ =	shalt  }
0x61: {  	_ =	shalt  }
0x62: {  	_ =	shalt  }
0x63: {  	_ =	shalt  }
0x64: {  	_ =	shalt  }
0x65: {  	_ =	shalt  }
0x66: {  	_ =	shalt  }
0x67: {  	_ =	shalt  }
0x68: {  	_ =	shalt  }
0x69: {  	_ =	shalt  }
0x6a: {  	_ =	shalt  }
0x6b: {  	_ =	shalt  }
0x6c: {  	_ =	shalt  }
0x6d: {  	_ =	shalt  }
0x6e: {  	_ =	shalt  }
0x6f: {  	_ =	shalt  }
0x70: {  	_ =	shalt  }
0x71: {  	_ =	shalt  }
0x72: {  	_ =	shalt  }
0x73: {  	_ =	shalt  }
0x74: {  	_ =	shalt  }
0x75: {  	_ =	shalt  }
0x76: {  	_ =	shalt  }
0x77: {  	_ =	shalt  }
0x78: {  	_ =	shalt  }
0x79: {  	_ =	shalt  }
0x7a: {  	_ =	shalt  }
0x7b: {  	_ =	shalt  }
0x7c: {  	_ =	shalt  }
0x7d: {  	_ =	shalt  }
0x7e: {  	_ =	shalt  }
0x7f: {  	_ =	shalt  }
0x80: {  	_ =	shalt  }
0x81: {  	_ =	shalt  }
0x82: {  	_ =	shalt  }
0x83: {  	_ =	shalt  }
0x84: {  	_ =	shalt  }
0x85: {  	_ =	shalt  }
0x86: {  	_ =	shalt  }
0x87: {  	_ =	shalt  }
.Lfunc_end0:
.L_simem_size_0:
called_computation.1_lowered:
.L_overlay_start_0:
0x88: {  	s2 =	sld [smem:$0x3FD9]  }
0x89: {  	s3 =	sld [smem:$0x3FFE];
	_ =	sdelay $0x1  }
0x8a: {  	s1 =	srdreg.scid  }
0x8b: {  	s0 =	sand.u32 $0x1, s1  }
0x8c: {  	s16 =	sshll.u32 s0, $0xA;
	s2 =	sadd.s32 s3, s2  }
0x8d: {  	s2 =	sadd.s32 s2, s16  }
0x8e: {  	[smem:$0x3FC4] =	sst s2  }
0x8f: {  	_ = 	snop  }
0x90: {  	(tm) =	ssettm $0x1  }
0x91: {  	s17 =	sld [smem:$0x3FFB];
	_ =	sdelay $0x3  }
0x92: {  	_ =	strace s17  }
0x93: {  	s2 =	sld [smem:$0x3FFC];
	_ =	sdelay $0x3  }
0x94: {  	_ =	strace s2  }
0x95: {  	s2 =	sld [smem:$0x3FFD];
	_ =	sdelay $0x3  }
0x96: {  	_ =	strace s2  }
0x97: {  	_ =	strace $0x8FFFFFFF  }
0x98: {  	s18 =	sld [smem:$0x3FDB];
	_ =	sdelay $0x1  }
0x99: {  	s19 =	simm.s32 $_scs_section_size  }
0x9a: {  	s4 =	simm.s32 $_size__tile_overlayer_lowered;
	s5 =	simm.s32 $_tile_overlayer_lowered  }
0x9b: {  	s22 =	simm.s32 $0x1BFF;
	s21 =	sshll.u32 s5, $0x1;
	s2 =	sadd.s32 s19, s18  }
0x9c: {  	s6 =	simm.s32 $0x0;
	s20 =	sshll.u32 s4, $0x1;
	s4 =	sadd.s32 s21, s2  }
0x9d: {  	[timem:s6], [sflag:s22] =	dma.local [hbm:s4], s20  }
0x9e: {  	_ =	swait.ge [sflag:s22], s20  }
0x9f: {  	s3 =	ssub.s32 $0x0, s20;
	[sflag:s22] =	ssyncset.done $0x0  }
0xa0: {  	[sflag:s22] =	ssyncadd.s32 s3;
	_ =	sdelay $0x1  }
0xa1: {  	s23 =	simm.s32 $0x1B8B  }
0xa2: {  	_ =	swait.ge [sflag:s23], $0x1  }
0xa3: {  	[sflag:s23] =	ssyncset.done $0x0  }
0xa4: {  	s25 =	simm.s32 $0x1B8E;
	s24 =	sld [smem:$0x3FFE];
	[sflag:s23] =	ssyncadd.s32 $0xFFFFFFFF  }
0xa5: {  	s26 =	simm.s32 $execute0_lowered;
	[smem:$0x3FD2] =	sst s25  }
0xa6: {  	s4 =	sshll.u32 s26, $0x1;
	_ =	strace $0x80000049;
	[dreg:$0x1] =	wrdreg $0xFFFFFFFF  }
0xa7: {  	s28 =	simm.s32 $_size_execute0_lowered;
	s2 =	sadd.s32 s2, s4;
	[dreg:$0x0] =	wrdreg $0x0  }
0xa8: {  	s4 =	sshll.u32 s28, $0x1;
	[dreg:$0x2] =	wrdreg s2  }
0xa9: {  	[dreg:$0x3] =	wrdreg s4  }
0xaa: {  	[dreg:$0x4] =	wrdreg $0xC0  }
0xab: {  	_ =	task [dreg:s6], $0x5FFFF  }
0xac: {  	[dreg:$0x1] =	wrdreg $0xFFFFFFFF  }
0xad: {  	[dreg:$0x0] =	wrdreg $0x60  }
0xae: {  	[dreg:$0x2] =	wrdreg s24  }
0xaf: {  	[dreg:$0x3] =	wrdreg $0x9  }
0xb0: {  	_ =	task.clear_ibuf [dreg:s6], $0x4FFFF;
	_ =	strace $0x90000049  }
0xb1: {  	s29 =	simm.s32 $0x9;
	_ =	strace $0x8000004B  }
0xb2: {  	_ =	swait.ge [sflag:s29], $0x1  }
0xb3: {  	[sflag:s29] =	ssyncadd.s32 $0xFFFFFFFF  }
0xb4: {  	_ =	strace $0x9000004B  }
0xb5: {  	_ =	sfence  }
0xb6: {  	s30 =	sld [smem:$0x0];
	_ =	sdelay $0x2  }
0xb7: {  	s31 =	sshll.u32 s1, $0xD;
	s1 =	sshrl.u32 s1, $0x2  }
0xb8: {  	s3 =	sand.u32 $0x4000, s31;
	s1 =	sadd.s32 s1, s30  }
0xb9: {  	s0 =	sor.u32 s3, s0;
	s1 =	sshll.u32 s1, $0x11  }
0xba: {  	s0 =	sor.u32 s1, s0  }
0xbb: {  	s0 =	sadd.s32 $0x8F2B, s0  }
0xbc: {  	[sflag:s0] =	ssyncadd.remote.s32 $0x1  }
0xbd: {  	_ =	sfence.sel $0xFFFF  }
0xbe: {  	[dreg:$0x0] =	wrdreg $0xFFFFFFFF;
	(pc) =	sbr.abs _section_cstart, $3  }
0xbf: {  	[dreg:$0x1] =	wrdreg $0xFFFFFFFF  }
0xc0: {  	_ =	task.clear_ibuf [dreg:s6], $0x2FFFF;
	_ =	strace $0x9FFFFFFF  }
0xc1: {  	(tm) =	ssettm $0x7FFFFFFF  }
tec
execute0_lowered:
.L_overlay_start_1:
0x0: {  	(tag) =	ssettag $0x1  }
0x1: {  	s0 =	rddreg [dreg:$0x0];
	s1 =	simm.s32 $0x0  }
0x2: {  	s3 =	srdreg.scid;
	s2 =	stileid.u32;
	s21 =	simm.s32 $0xC080  }
0x3: {  	s22 =	simm.s32 $0x80;
	s23 =	simm.s32 $0x4080;
	s28 =	simm.s32 $0x4  }
0x4: {  	s29 =	simm.s32 $0x10080;
	s30 =	simm.s32 $0x0;
	[smem:$0x7FF] =	sst s1  }
0x5: {  	s14 =	sadd.s32 $0x41000, s0;
	s15 =	sadd.s32 $0x1000, s0;
	s16 =	sadd.s32 $0x4DA00, s0  }
0x6: {  	s4 =	sand.u32 $0x1, s3;
	s5 =	sshll.u32 s2, $0x1;
	s3 =	sadd.s32 $0x45800, s0  }
0x7: {  	_ =	strace $0x8000004A;
	s5 =	sor.u32 s4, s5;
	s6 =	ssub.s32 $0x2, s4  }
0x8: {  	s4 =	sadd.s32 $0x49800, s0;
	s7 =	sshll.u32 s5, $0x4;
	s8 =	sshrl.u32 s6, $0x1  }
0x9: {  	s11 =	sshll.u32 s5, $0x9;
	s24 =	sshll.u32 s5, $0x6;
	s25 =	sshll.u32 s5, $0xD  }
0xa: {  	s0 =	sadd.s32 s7, s0;
	s18 =	ssub.s32 s6, s8;
	s9 =	sor.u32 $0x80, s11  }
0xb: {  	s5 =	sadd.s32 s14, s24;
	s6 =	sadd.s32 s15, s25;
	s7 =	sadd.s32 s16, s25  }
0xc: {  	s12 =	sor.u32 $0x100, s11;
	s19 =	sor.u32 $0x180, s11;
	s24 =	simm.s32 $0x2  }
0xd: {  	s25 =	simm.s32 $0x3;
	s26 =	sshrl.u32 s9, $0x3;
	s10 =	sshll.u32 s9, $0x4  }
0xe: {  	s13 =	sshrl.u32 s12, $0x3;
	s17 =	sshll.u32 s12, $0x4;
	s20 =	sshrl.u32 s19, $0x3  }
0xf: {  	s31 =	sshll.u32 s19, $0x4;
	s18 =	smax.u32 s18, $0x1;
	s19 =	simm.s32 $0x5  }
0x10: {  	s8 =	sadd.s32 s14, s26;
	s9 =	sadd.s32 s15, s10;
	s10 =	sadd.s32 s16, s10  }
0x11: {  	s11 =	sadd.s32 s14, s13;
	s12 =	sadd.s32 s15, s17;
	s13 =	sadd.s32 s16, s17  }
0x12: {  	s14 =	sadd.s32 s14, s20;
	s15 =	sadd.s32 s15, s31;
	s16 =	sadd.s32 s16, s31  }
0x13: {  	v0 =	vimm.f32 $0.0e+00;
	s17 =	sadd.s32 $0x41800, s0;
	s20 =	simm.s32 $0x8080;
	s26 =	simm.s32 $0x1  }
.LBB2_1:
0x14: {  	[tilespmem:$0x10080] =	vst v0  }
0x15: {  	[tilespmem:s1], [sflag:$0x5] =	stream.linear.gather [hbm4b:s5+s1], $0x80, $0x38;
	[tilespmem:$0x10100] =	vst v63  }
0x16: {  	_ =	swait.ge [sflag:s19], $0x80  }
0x17: {  	[sflag:s19] =	ssyncset.done $0x0  }
0x18: {  	[sflag:s19] =	ssyncadd.s32 $0xFFFFFF80  }
0x19: {  	[tilespmem:s20], [sflag:$0x2] =	stream.linear.gather [hbm4b:s6+s1], $0x4000, $0x38;
	[tilespmem:$0x10100] =	vst v63  }
0x1a: {  	_ = 	snop  }
0x1b: {  	[tilespmem:s21], [sflag:$0x3] =	stream.linear.gather [hbm4b:s7+s1], $0x4000, $0x38;
	[tilespmem:$0x10100] =	vst v63  }
0x1c: {  	_ = 	snop  }
0x1d: {  	[tilespmem:s22], [sflag:$0x1] =	stream.indirect.gather [hbm4b:s3+s22], $0x80, s1, s22, $0xb8;
	[tilespmem:$0x10100] =	vst v63  }
0x1e: {  	_ = 	snop  }
0x1f: {  	[tilespmem:s23], [sflag:$0x4] =	stream.indirect.gather [hbm4b:s4+s22], $0x80, s1, s22, $0xb8;
	[tilespmem:$0x10100] =	vst v63  }
0x20: {  	_ =	swait.ge [sflag:s24], $0x4000  }
0x21: {  	[sflag:s24] =	ssyncset.done $0x0  }
0x22: {  	[sflag:s24] =	ssyncadd.s32 $0xFFFFC000  }
0x23: {  	_ =	swait.ge [sflag:s25], $0x4000  }
0x24: {  	[sflag:s25] =	ssyncset.done $0x0  }
0x25: {  	[sflag:s25] =	ssyncadd.s32 $0xFFFFC000  }
0x26: {  	_ =	swait.ge [sflag:s26], $0x4000  }
0x27: {  	[sflag:s26] =	ssyncset.done $0x0  }
0x28: {  	[sflag:s26] =	ssyncadd.s32 $0xFFFFC000  }
0x29: {  	_ =	swait.ge [sflag:s28], $0x4000  }
0x2a: {  	[sflag:s28] =	ssyncset.done $0x0  }
0x2b: {  	[sflag:s28] =	ssyncadd.s32 $0xFFFFC000  }
0x2c: {  	s0 =	simm.s32 $0x0;
	v6 =	vld [tilespmem:$0x10080]  }
0x2d: {  	v1 =	vld [tilespmem:s0+$0xB0]  }
0x2e: {  	v2 =	vld [tilespmem:s0+$0x40B0]  }
0x2f: {  	v3 =	vld [tilespmem:s0+$0xA0]  }
0x30: {  	v5 =	vld [tilespmem:s0+$0x80]  }
0x31: {  	v7 =	vld [tilespmem:s0+$0x4080]  }
0x32: {  	v8 =	vld [tilespmem:s0+$0x90]  }
0x33: {  	v9 =	vld [tilespmem:s0+$0x4090]  }
0x34: {  	v4 =	vld [tilespmem:s0+$0x40A0]  }
0x35: {  	v10 =	vld [tilespmem:s0+$0xC080]  }
0x36: {  	v11 =	vld [tilespmem:s0+$0x8080]  }
0x37: {  	v5 =	vadd.f32 v7, v5;
	v7 =	vld [tilespmem:s0+$0xC090]  }
0x38: {  	v12 =	vld [tilespmem:s0+$0x8090];
	v8 =	vadd.f32 v9, v8  }
0x39: {  	v9 =	vld [tilespmem:s0+$0xC0A0];
	v3 =	vadd.f32 v4, v3;
	vm0 =	vlt.f32 v5, $0.0e+00  }
0x3a: {  	vm1 =	vgt.f32 v5, $0.0e+00;
	vm10 =	vlt.f32 v8, $0.0e+00;
	v5 =	vsel vm0, $0xBF800000, v10;
	v10 =	vld [tilespmem:s0+$0xC0B0]  }
0x3b: {  	s31 =	simm.s32 $0x80;
	v13 =	vld [tilespmem:s0+$0x80A0];
	vm11 =	vgt.f32 v8, $0.0e+00;
	v8 =	vadd.f32 v2, v1;
	v4 =	vsel vm1, $0x3F800000, v5  }
0x3c: {  	v1 =	vld [tilespmem:s31+$0xB0];
	vm12 =	vlt.f32 v3, $0.0e+00;
	v4 =	vsub.f32 v11, v4;
	v7 =	vsel vm10, $0xBF800000, v7  }
0x3d: {  	vm13 =	vgt.f32 v3, $0.0e+00;
	v5 =	vld [tilespmem:s0+$0x80B0];
	vm14 =	vlt.f32 v8, $0.0e+00;
	v7 =	vsel vm11, $0x3F800000, v7  }
0x3e: {  	v2 =	vld [tilespmem:s31+$0x40B0];
	v11 =	vmul.f32 v4, v4;
	v4 =	vsel vm12, $0xBF800000, v9;
	v9 =	vsub.f32 v12, v7  }
0x3f: {  	v3 =	vld [tilespmem:s31+$0xA0];
	vm15 =	vgt.f32 v8, $0.0e+00;
	v63 =	vsel vm13, $0x3F800000, v4;
	v10 =	vsel vm14, $0xBF800000, v10  }
0x40: {  	v4 =	vld [tilespmem:s31+$0x40A0];
	v7 =	vadd.f32 v11, v6;
	v8 =	vmul.f32 v9, v9;
	v9 =	vsub.f32 v13, v63  }
0x41: {  	s0 =	simm.s32 $0x400;
	v6 =	vld [tilespmem:s31+$0x80];
	v10 =	vsel vm15, $0x3F800000, v10  }
.LBB2_2:
0x42: {  	p0 =	sne.s32 s0, $0xFE00;
	v11 =	vld [tilespmem:s31+$0x4080];
	v7 =	vadd.f32 v8, v7;
	v8 =	vmul.f32 v9, v9;
	v5 =	vsub.f32 v5, v10  }
0x43: {  	v9 =	vld [tilespmem:s31+$0x90]  }
0x44: {  	v10 =	vld [tilespmem:s31+$0x4090];
	v7 =	vadd.f32 v8, v7;
	v5 =	vmul.f32 v5, v5  }
0x45: {  	v8 =	vld [tilespmem:s31+$0xC080]  }
0x46: {  	v12 =	vld [tilespmem:s31+$0x8080];
	v7 =	vadd.f32 v5, v7  }
0x47: {  	v5 =	vadd.f32 v11, v6;
	v6 =	vld [tilespmem:s31+$0xC090]  }
0x48: {  	v11 =	vld [tilespmem:s31+$0x8090]  }
0x49: {  	v13 =	vadd.f32 v2, v1;
	vm0 =	vlt.f32 v5, $0.0e+00;
	v9 =	vadd.f32 v10, v9;
	v10 =	vld [tilespmem:s31+$0xC0A0]  }
0x4a: {  	v2 =	vadd.f32 v4, v3;
	vm1 =	vgt.f32 v5, $0.0e+00;
	v1 =	vsel vm0, $0xBF800000, v8;
	v4 =	vld [tilespmem:s31+$0xC0B0]  }
0x4b: {  	v1 =	vsel vm1, $0x3F800000, v1;
	vm0 =	vlt.f32 v9, $0.0e+00;
	v14 =	vld [tilespmem:s31+$0x80A0];
	vm1 =	vlt.f32 v13, $0.0e+00  }
0x4c: {  	vm2 =	vgt.f32 v9, $0.0e+00;
	v3 =	vsub.f32 v12, v1;
	v6 =	vsel vm0, $0xBF800000, v6;
	v5 =	vld [tilespmem:s31+$0x80B0];
	s31 =	sshra.s32 s0, $0x2  }
.Ltmp0:
0x4d: {  	vm0 =	vgt.f32 v2, $0.0e+00;
	v1 =	vld [tilespmem:s31+$0xB0];
	v6 =	vsel vm2, $0x3F800000, v6;
	vm2 =	vlt.f32 v2, $0.0e+00;
	(pc) =	sbr.rel @p0 .LBB2_2-.Ltmp0, $4  }
0x4e: {  	v2 =	vld [tilespmem:s31+$0x40B0];
	v8 =	vmul.f32 v3, v3;
	v6 =	vsub.f32 v11, v6;
	v9 =	vsel vm2, $0xBF800000, v10  }
0x4f: {  	v3 =	vld [tilespmem:s31+$0xA0];
	v9 =	vsel vm0, $0x3F800000, v9;
	vm0 =	vgt.f32 v13, $0.0e+00;
	v10 =	vsel vm1, $0xBF800000, v4  }
0x50: {  	v4 =	vld [tilespmem:s31+$0x40A0];
	v7 =	vadd.f32 v8, v7;
	v8 =	vmul.f32 v6, v6;
	v9 =	vsub.f32 v14, v9  }
0x51: {  	s0 =	sadd.s32 $0x200, s0;
	v10 =	vsel vm0, $0x3F800000, v10;
	v6 =	vld [tilespmem:s31+$0x80]  }
0x52: {  	v11 =	vld [tilespmem:s31+$0x4080]  }
0x53: {  	v12 =	vld [tilespmem:s31+$0x90]  }
0x54: {  	v7 =	vadd.f32 v8, v7;
	v8 =	vmul.f32 v9, v9;
	v9 =	vld [tilespmem:s31+$0x4090]  }
0x55: {  	v5 =	vsub.f32 v5, v10;
	v10 =	vld [tilespmem:s31+$0xC080]  }
0x56: {  	v7 =	vadd.f32 v8, v7;
	v8 =	vld [tilespmem:s31+$0x8080]  }
0x57: {  	v5 =	vmul.f32 v5, v5;
	v6 =	vadd.f32 v11, v6;
	v11 =	vld [tilespmem:s31+$0xC090]  }
0x58: {  	v61 =	vld [tilespmem:s31+$0xC0A0];
	v1 =	vadd.f32 v2, v1  }
0x59: {  	v5 =	vadd.f32 v5, v7;
	v7 =	vld [tilespmem:s31+$0x8090];
	v9 =	vadd.f32 v9, v12;
	vm0 =	vlt.f32 v6, $0.0e+00  }
0x5a: {  	v3 =	vadd.f32 v4, v3;
	v4 =	vld [tilespmem:s31+$0xC0B0];
	vm1 =	vgt.f32 v6, $0.0e+00;
	v2 =	vsel vm0, $0xBF800000, v10  }
0x5b: {  	vm4 =	vlt.f32 v1, $0.0e+00;
	vm15 =	vlt.f32 v9, $0.0e+00;
	v6 =	vld [tilespmem:s31+$0x80A0];
	v2 =	vsel vm1, $0x3F800000, v2  }
0x5c: {  	vm2 =	vgt.f32 v9, $0.0e+00;
	v2 =	vsub.f32 v8, v2;
	v8 =	vsel vm15, $0xBF800000, v11  }
0x5d: {  	vm5 =	vgt.f32 v3, $0.0e+00;
	vm6 =	vlt.f32 v3, $0.0e+00;
	v9 =	vld [tilespmem:s31+$0x80B0];
	v8 =	vsel vm2, $0x3F800000, v8  }
0x5e: {  	v2 =	vmul.f32 v2, v2;
	v3 =	vsub.f32 v7, v8;
	v7 =	vsel vm6, $0xBF800000, v61  }
0x5f: {  	vm7 =	vgt.f32 v1, $0.0e+00;
	v1 =	vsel vm4, $0xBF800000, v4;
	v7 =	vsel vm5, $0x3F800000, v7  }
0x60: {  	v2 =	vadd.f32 v2, v5;
	v3 =	vmul.f32 v3, v3;
	v4 =	vsub.f32 v6, v7  }
0x61: {  	v1 =	vsel vm7, $0x3F800000, v1  }
0x62: {  	v1 =	vsub.f32 v9, v1;
	v2 =	vadd.f32 v3, v2;
	v3 =	vmul.f32 v4, v4;
	_ =	sdelay $0x1  }
0x63: {  	v1 =	vmul.f32 v1, v1;
	v2 =	vadd.f32 v3, v2;
	_ =	sdelay $0x1  }
0x64: {  	v1 =	vadd.f32 v1, v2;
	_ =	sdelay $0x1  }
0x65: {  	s0 =	simm.s32 $0x0;
	[tilespmem:$0x10080] =	vst v1  }
0x66: {  	[tilespmem:s0], [sflag:$0x5] =	stream.linear.gather [hbm4b:s8+s0], $0x80, $0x38;
	[tilespmem:$0x10100] =	vst v63  }
0x67: {  	_ =	swait.ge [sflag:s19], $0x80  }
0x68: {  	[sflag:s19] =	ssyncset.done $0x0  }
0x69: {  	[sflag:s19] =	ssyncadd.s32 $0xFFFFFF80  }
0x6a: {  	[tilespmem:s20], [sflag:$0x2] =	stream.linear.gather [hbm4b:s9+s0], $0x4000, $0x38;
	[tilespmem:$0x10100] =	vst v63  }
0x6b: {  	_ = 	snop  }
0x6c: {  	[tilespmem:s21], [sflag:$0x3] =	stream.linear.gather [hbm4b:s10+s0], $0x4000, $0x38;
	[tilespmem:$0x10100] =	vst v63  }
0x6d: {  	_ = 	snop  }
0x6e: {  	[tilespmem:s22], [sflag:$0x1] =	stream.indirect.gather [hbm4b:s3+s22], $0x80, s0, s22, $0xb8;
	[tilespmem:$0x10100] =	vst v63  }
0x6f: {  	_ = 	snop  }
0x70: {  	[tilespmem:s23], [sflag:$0x4] =	stream.indirect.gather [hbm4b:s4+s22], $0x80, s0, s22, $0xb8;
	[tilespmem:$0x10100] =	vst v63  }
0x71: {  	_ =	swait.ge [sflag:s24], $0x4000  }
0x72: {  	[sflag:s24] =	ssyncset.done $0x0  }
0x73: {  	[sflag:s24] =	ssyncadd.s32 $0xFFFFC000  }
0x74: {  	_ =	swait.ge [sflag:s25], $0x4000  }
0x75: {  	[sflag:s25] =	ssyncset.done $0x0  }
0x76: {  	[sflag:s25] =	ssyncadd.s32 $0xFFFFC000  }
0x77: {  	_ =	swait.ge [sflag:s26], $0x4000  }
0x78: {  	[sflag:s26] =	ssyncset.done $0x0  }
0x79: {  	[sflag:s26] =	ssyncadd.s32 $0xFFFFC000  }
0x7a: {  	_ =	swait.ge [sflag:s28], $0x4000  }
0x7b: {  	[sflag:s28] =	ssyncset.done $0x0  }
0x7c: {  	[sflag:s28] =	ssyncadd.s32 $0xFFFFC000  }
0x7d: {  	s0 =	simm.s32 $0x0;
	v6 =	vld [tilespmem:$0x10080]  }
0x7e: {  	v1 =	vld [tilespmem:s0+$0xB0]  }
0x7f: {  	v2 =	vld [tilespmem:s0+$0x40B0]  }
0x80: {  	v3 =	vld [tilespmem:s0+$0xA0]  }
0x81: {  	v5 =	vld [tilespmem:s0+$0x80]  }
0x82: {  	v7 =	vld [tilespmem:s0+$0x4080]  }
0x83: {  	v8 =	vld [tilespmem:s0+$0x90]  }
0x84: {  	v9 =	vld [tilespmem:s0+$0x4090]  }
0x85: {  	v4 =	vld [tilespmem:s0+$0x40A0]  }
0x86: {  	v10 =	vld [tilespmem:s0+$0xC080]  }
0x87: {  	v11 =	vld [tilespmem:s0+$0x8080]  }
0x88: {  	v5 =	vadd.f32 v7, v5;
	v7 =	vld [tilespmem:s0+$0xC090]  }
0x89: {  	v62 =	vld [tilespmem:s0+$0x8090];
	v8 =	vadd.f32 v9, v8  }
0x8a: {  	v9 =	vld [tilespmem:s0+$0xC0A0];
	v3 =	vadd.f32 v4, v3;
	vm8 =	vlt.f32 v5, $0.0e+00  }
0x8b: {  	vm9 =	vgt.f32 v5, $0.0e+00;
	vm10 =	vlt.f32 v8, $0.0e+00;
	v5 =	vsel vm8, $0xBF800000, v10;
	v10 =	vld [tilespmem:s0+$0xC0B0]  }
0x8c: {  	s31 =	simm.s32 $0x80;
	v13 =	vld [tilespmem:s0+$0x80A0];
	vm11 =	vgt.f32 v8, $0.0e+00;
	v8 =	vadd.f32 v2, v1;
	v4 =	vsel vm9, $0x3F800000, v5  }
0x8d: {  	v1 =	vld [tilespmem:s31+$0xB0];
	vm12 =	vlt.f32 v3, $0.0e+00;
	v4 =	vsub.f32 v11, v4;
	v7 =	vsel vm10, $0xBF800000, v7  }
0x8e: {  	vm13 =	vgt.f32 v3, $0.0e+00;
	v5 =	vld [tilespmem:s0+$0x80B0];
	vm14 =	vlt.f32 v8, $0.0e+00;
	v7 =	vsel vm11, $0x3F800000, v7  }
0x8f: {  	v2 =	vld [tilespmem:s31+$0x40B0];
	v11 =	vmul.f32 v4, v4;
	v4 =	vsel vm12, $0xBF800000, v9;
	v9 =	vsub.f32 v62, v7  }
0x90: {  	v3 =	vld [tilespmem:s31+$0xA0];
	vm15 =	vgt.f32 v8, $0.0e+00;
	v63 =	vsel vm13, $0x3F800000, v4;
	v10 =	vsel vm14, $0xBF800000, v10  }
0x91: {  	v4 =	vld [tilespmem:s31+$0x40A0];
	v7 =	vadd.f32 v11, v6;
	v8 =	vmul.f32 v9, v9;
	v9 =	vsub.f32 v13, v63  }
0x92: {  	s0 =	simm.s32 $0x400;
	v6 =	vld [tilespmem:s31+$0x80];
	v10 =	vsel vm15, $0x3F800000, v10  }
.LBB2_4:
0x93: {  	p0 =	sne.s32 s0, $0xFE00;
	v11 =	vld [tilespmem:s31+$0x4080];
	v7 =	vadd.f32 v8, v7;
	v8 =	vmul.f32 v9, v9;
	v5 =	vsub.f32 v5, v10  }
0x94: {  	v9 =	vld [tilespmem:s31+$0x90]  }
0x95: {  	v10 =	vld [tilespmem:s31+$0x4090];
	v7 =	vadd.f32 v8, v7;
	v5 =	vmul.f32 v5, v5  }
0x96: {  	v8 =	vld [tilespmem:s31+$0xC080]  }
0x97: {  	v12 =	vld [tilespmem:s31+$0x8080];
	v7 =	vadd.f32 v5, v7  }
0x98: {  	v5 =	vadd.f32 v11, v6;
	v6 =	vld [tilespmem:s31+$0xC090]  }
0x99: {  	v11 =	vld [tilespmem:s31+$0x8090]  }
0x9a: {  	v13 =	vadd.f32 v2, v1;
	vm0 =	vlt.f32 v5, $0.0e+00;
	v9 =	vadd.f32 v10, v9;
	v10 =	vld [tilespmem:s31+$0xC0A0]  }
0x9b: {  	v2 =	vadd.f32 v4, v3;
	vm1 =	vgt.f32 v5, $0.0e+00;
	v1 =	vsel vm0, $0xBF800000, v8;
	v4 =	vld [tilespmem:s31+$0xC0B0]  }
0x9c: {  	v1 =	vsel vm1, $0x3F800000, v1;
	vm0 =	vlt.f32 v9, $0.0e+00;
	v14 =	vld [tilespmem:s31+$0x80A0];
	vm1 =	vlt.f32 v13, $0.0e+00  }
0x9d: {  	vm2 =	vgt.f32 v9, $0.0e+00;
	v3 =	vsub.f32 v12, v1;
	v6 =	vsel vm0, $0xBF800000, v6;
	v5 =	vld [tilespmem:s31+$0x80B0];
	s31 =	sshra.s32 s0, $0x2  }
.Ltmp1:
0x9e: {  	vm0 =	vgt.f32 v2, $0.0e+00;
	v1 =	vld [tilespmem:s31+$0xB0];
	v6 =	vsel vm2, $0x3F800000, v6;
	vm2 =	vlt.f32 v2, $0.0e+00;
	(pc) =	sbr.rel @p0 .LBB2_4-.Ltmp1, $4  }
0x9f: {  	v2 =	vld [tilespmem:s31+$0x40B0];
	v8 =	vmul.f32 v3, v3;
	v6 =	vsub.f32 v11, v6;
	v9 =	vsel vm2, $0xBF800000, v10  }
0xa0: {  	v3 =	vld [tilespmem:s31+$0xA0];
	v9 =	vsel vm0, $0x3F800000, v9;
	vm0 =	vgt.f32 v13, $0.0e+00;
	v10 =	vsel vm1, $0xBF800000, v4  }
0xa1: {  	v4 =	vld [tilespmem:s31+$0x40A0];
	v7 =	vadd.f32 v8, v7;
	v8 =	vmul.f32 v6, v6;
	v9 =	vsub.f32 v14, v9  }
0xa2: {  	s0 =	sadd.s32 $0x200, s0;
	v10 =	vsel vm0, $0x3F800000, v10;
	v6 =	vld [tilespmem:s31+$0x80]  }
0xa3: {  	v11 =	vld [tilespmem:s31+$0x4080]  }
0xa4: {  	v12 =	vld [tilespmem:s31+$0x90]  }
0xa5: {  	v7 =	vadd.f32 v8, v7;
	v8 =	vmul.f32 v9, v9;
	v9 =	vld [tilespmem:s31+$0x4090]  }
0xa6: {  	v5 =	vsub.f32 v5, v10;
	v10 =	vld [tilespmem:s31+$0xC080]  }
0xa7: {  	v7 =	vadd.f32 v8, v7;
	v8 =	vld [tilespmem:s31+$0x8080]  }
0xa8: {  	v5 =	vmul.f32 v5, v5;
	v6 =	vadd.f32 v11, v6;
	v11 =	vld [tilespmem:s31+$0xC090]  }
0xa9: {  	v61 =	vld [tilespmem:s31+$0xC0A0];
	v1 =	vadd.f32 v2, v1  }
0xaa: {  	v5 =	vadd.f32 v5, v7;
	v7 =	vld [tilespmem:s31+$0x8090];
	v9 =	vadd.f32 v9, v12;
	vm0 =	vlt.f32 v6, $0.0e+00  }
0xab: {  	v3 =	vadd.f32 v4, v3;
	v4 =	vld [tilespmem:s31+$0xC0B0];
	vm1 =	vgt.f32 v6, $0.0e+00;
	v2 =	vsel vm0, $0xBF800000, v10  }
0xac: {  	vm4 =	vlt.f32 v1, $0.0e+00;
	vm15 =	vlt.f32 v9, $0.0e+00;
	v6 =	vld [tilespmem:s31+$0x80A0];
	v2 =	vsel vm1, $0x3F800000, v2  }
0xad: {  	vm2 =	vgt.f32 v9, $0.0e+00;
	v2 =	vsub.f32 v8, v2;
	v8 =	vsel vm15, $0xBF800000, v11  }
0xae: {  	vm5 =	vgt.f32 v3, $0.0e+00;
	vm6 =	vlt.f32 v3, $0.0e+00;
	v9 =	vld [tilespmem:s31+$0x80B0];
	v8 =	vsel vm2, $0x3F800000, v8  }
0xaf: {  	v2 =	vmul.f32 v2, v2;
	v3 =	vsub.f32 v7, v8;
	v7 =	vsel vm6, $0xBF800000, v61  }
0xb0: {  	vm7 =	vgt.f32 v1, $0.0e+00;
	v1 =	vsel vm4, $0xBF800000, v4;
	v7 =	vsel vm5, $0x3F800000, v7  }
0xb1: {  	v2 =	vadd.f32 v2, v5;
	v3 =	vmul.f32 v3, v3;
	v4 =	vsub.f32 v6, v7  }
0xb2: {  	v1 =	vsel vm7, $0x3F800000, v1  }
0xb3: {  	v1 =	vsub.f32 v9, v1;
	v2 =	vadd.f32 v3, v2;
	v3 =	vmul.f32 v4, v4;
	_ =	sdelay $0x1  }
0xb4: {  	v1 =	vmul.f32 v1, v1;
	v2 =	vadd.f32 v3, v2;
	_ =	sdelay $0x1  }
0xb5: {  	v1 =	vadd.f32 v1, v2;
	_ =	sdelay $0x1  }
0xb6: {  	s0 =	simm.s32 $0x0;
	[tilespmem:$0x10080] =	vst v1  }
0xb7: {  	[tilespmem:s0], [sflag:$0x5] =	stream.linear.gather [hbm4b:s11+s0], $0x80, $0x38;
	[tilespmem:$0x10100] =	vst v63  }
0xb8: {  	_ =	swait.ge [sflag:s19], $0x80  }
0xb9: {  	[sflag:s19] =	ssyncset.done $0x0  }
0xba: {  	[sflag:s19] =	ssyncadd.s32 $0xFFFFFF80  }
0xbb: {  	[tilespmem:s20], [sflag:$0x2] =	stream.linear.gather [hbm4b:s12+s0], $0x4000, $0x38;
	[tilespmem:$0x10100] =	vst v63  }
0xbc: {  	_ = 	snop  }
0xbd: {  	[tilespmem:s21], [sflag:$0x3] =	stream.linear.gather [hbm4b:s13+s0], $0x4000, $0x38;
	[tilespmem:$0x10100] =	vst v63  }
0xbe: {  	_ = 	snop  }
0xbf: {  	[tilespmem:s22], [sflag:$0x1] =	stream.indirect.gather [hbm4b:s3+s22], $0x80, s0, s22, $0xb8;
	[tilespmem:$0x10100] =	vst v63  }
0xc0: {  	_ = 	snop  }
0xc1: {  	[tilespmem:s23], [sflag:$0x4] =	stream.indirect.gather [hbm4b:s4+s22], $0x80, s0, s22, $0xb8;
	[tilespmem:$0x10100] =	vst v63  }
0xc2: {  	_ =	swait.ge [sflag:s24], $0x4000  }
0xc3: {  	[sflag:s24] =	ssyncset.done $0x0  }
0xc4: {  	[sflag:s24] =	ssyncadd.s32 $0xFFFFC000  }
0xc5: {  	_ =	swait.ge [sflag:s25], $0x4000  }
0xc6: {  	[sflag:s25] =	ssyncset.done $0x0  }
0xc7: {  	[sflag:s25] =	ssyncadd.s32 $0xFFFFC000  }
0xc8: {  	_ =	swait.ge [sflag:s26], $0x4000  }
0xc9: {  	[sflag:s26] =	ssyncset.done $0x0  }
0xca: {  	[sflag:s26] =	ssyncadd.s32 $0xFFFFC000  }
0xcb: {  	_ =	swait.ge [sflag:s28], $0x4000  }
0xcc: {  	[sflag:s28] =	ssyncset.done $0x0  }
0xcd: {  	[sflag:s28] =	ssyncadd.s32 $0xFFFFC000  }
0xce: {  	s0 =	simm.s32 $0x0;
	v6 =	vld [tilespmem:$0x10080]  }
0xcf: {  	v1 =	vld [tilespmem:s0+$0xB0]  }
0xd0: {  	v2 =	vld [tilespmem:s0+$0x40B0]  }
0xd1: {  	v3 =	vld [tilespmem:s0+$0xA0]  }
0xd2: {  	v5 =	vld [tilespmem:s0+$0x80]  }
0xd3: {  	v7 =	vld [tilespmem:s0+$0x4080]  }
0xd4: {  	v8 =	vld [tilespmem:s0+$0x90]  }
0xd5: {  	v9 =	vld [tilespmem:s0+$0x4090]  }
0xd6: {  	v4 =	vld [tilespmem:s0+$0x40A0]  }
0xd7: {  	v10 =	vld [tilespmem:s0+$0xC080]  }
0xd8: {  	v11 =	vld [tilespmem:s0+$0x8080]  }
0xd9: {  	v5 =	vadd.f32 v7, v5;
	v7 =	vld [tilespmem:s0+$0xC090]  }
0xda: {  	v62 =	vld [tilespmem:s0+$0x8090];
	v8 =	vadd.f32 v9, v8  }
0xdb: {  	v9 =	vld [tilespmem:s0+$0xC0A0];
	v3 =	vadd.f32 v4, v3;
	vm8 =	vlt.f32 v5, $0.0e+00  }
0xdc: {  	vm9 =	vgt.f32 v5, $0.0e+00;
	vm10 =	vlt.f32 v8, $0.0e+00;
	v5 =	vsel vm8, $0xBF800000, v10;
	v10 =	vld [tilespmem:s0+$0xC0B0]  }
0xdd: {  	s31 =	simm.s32 $0x80;
	v13 =	vld [tilespmem:s0+$0x80A0];
	vm11 =	vgt.f32 v8, $0.0e+00;
	v8 =	vadd.f32 v2, v1;
	v4 =	vsel vm9, $0x3F800000, v5  }
0xde: {  	v1 =	vld [tilespmem:s31+$0xB0];
	vm12 =	vlt.f32 v3, $0.0e+00;
	v4 =	vsub.f32 v11, v4;
	v7 =	vsel vm10, $0xBF800000, v7  }
0xdf: {  	vm13 =	vgt.f32 v3, $0.0e+00;
	v5 =	vld [tilespmem:s0+$0x80B0];
	vm14 =	vlt.f32 v8, $0.0e+00;
	v7 =	vsel vm11, $0x3F800000, v7  }
0xe0: {  	v2 =	vld [tilespmem:s31+$0x40B0];
	v11 =	vmul.f32 v4, v4;
	v4 =	vsel vm12, $0xBF800000, v9;
	v9 =	vsub.f32 v62, v7  }
0xe1: {  	v3 =	vld [tilespmem:s31+$0xA0];
	vm15 =	vgt.f32 v8, $0.0e+00;
	v63 =	vsel vm13, $0x3F800000, v4;
	v10 =	vsel vm14, $0xBF800000, v10  }
0xe2: {  	v4 =	vld [tilespmem:s31+$0x40A0];
	v7 =	vadd.f32 v11, v6;
	v8 =	vmul.f32 v9, v9;
	v9 =	vsub.f32 v13, v63  }
0xe3: {  	s0 =	simm.s32 $0x400;
	v6 =	vld [tilespmem:s31+$0x80];
	v10 =	vsel vm15, $0x3F800000, v10  }
.LBB2_6:
0xe4: {  	p0 =	sne.s32 s0, $0xFE00;
	v11 =	vld [tilespmem:s31+$0x4080];
	v7 =	vadd.f32 v8, v7;
	v8 =	vmul.f32 v9, v9;
	v5 =	vsub.f32 v5, v10  }
0xe5: {  	v9 =	vld [tilespmem:s31+$0x90]  }
0xe6: {  	v10 =	vld [tilespmem:s31+$0x4090];
	v7 =	vadd.f32 v8, v7;
	v5 =	vmul.f32 v5, v5  }
0xe7: {  	v8 =	vld [tilespmem:s31+$0xC080]  }
0xe8: {  	v12 =	vld [tilespmem:s31+$0x8080];
	v7 =	vadd.f32 v5, v7  }
0xe9: {  	v5 =	vadd.f32 v11, v6;
	v6 =	vld [tilespmem:s31+$0xC090]  }
0xea: {  	v11 =	vld [tilespmem:s31+$0x8090]  }
0xeb: {  	v13 =	vadd.f32 v2, v1;
	vm0 =	vlt.f32 v5, $0.0e+00;
	v9 =	vadd.f32 v10, v9;
	v10 =	vld [tilespmem:s31+$0xC0A0]  }
0xec: {  	v2 =	vadd.f32 v4, v3;
	vm1 =	vgt.f32 v5, $0.0e+00;
	v1 =	vsel vm0, $0xBF800000, v8;
	v4 =	vld [tilespmem:s31+$0xC0B0]  }
0xed: {  	v1 =	vsel vm1, $0x3F800000, v1;
	vm0 =	vlt.f32 v9, $0.0e+00;
	v14 =	vld [tilespmem:s31+$0x80A0];
	vm1 =	vlt.f32 v13, $0.0e+00  }
0xee: {  	vm2 =	vgt.f32 v9, $0.0e+00;
	v3 =	vsub.f32 v12, v1;
	v6 =	vsel vm0, $0xBF800000, v6;
	v5 =	vld [tilespmem:s31+$0x80B0];
	s31 =	sshra.s32 s0, $0x2  }
.Ltmp2:
0xef: {  	vm0 =	vgt.f32 v2, $0.0e+00;
	v1 =	vld [tilespmem:s31+$0xB0];
	v6 =	vsel vm2, $0x3F800000, v6;
	vm2 =	vlt.f32 v2, $0.0e+00;
	(pc) =	sbr.rel @p0 .LBB2_6-.Ltmp2, $4  }
0xf0: {  	v2 =	vld [tilespmem:s31+$0x40B0];
	v8 =	vmul.f32 v3, v3;
	v6 =	vsub.f32 v11, v6;
	v9 =	vsel vm2, $0xBF800000, v10  }
0xf1: {  	v3 =	vld [tilespmem:s31+$0xA0];
	v9 =	vsel vm0, $0x3F800000, v9;
	vm0 =	vgt.f32 v13, $0.0e+00;
	v10 =	vsel vm1, $0xBF800000, v4  }
0xf2: {  	v4 =	vld [tilespmem:s31+$0x40A0];
	v7 =	vadd.f32 v8, v7;
	v8 =	vmul.f32 v6, v6;
	v9 =	vsub.f32 v14, v9  }
0xf3: {  	s0 =	sadd.s32 $0x200, s0;
	v10 =	vsel vm0, $0x3F800000, v10;
	v6 =	vld [tilespmem:s31+$0x80]  }
0xf4: {  	v11 =	vld [tilespmem:s31+$0x4080]  }
0xf5: {  	v12 =	vld [tilespmem:s31+$0x90]  }
0xf6: {  	v7 =	vadd.f32 v8, v7;
	v8 =	vmul.f32 v9, v9;
	v9 =	vld [tilespmem:s31+$0x4090]  }
0xf7: {  	v5 =	vsub.f32 v5, v10;
	v10 =	vld [tilespmem:s31+$0xC080]  }
0xf8: {  	v7 =	vadd.f32 v8, v7;
	v8 =	vld [tilespmem:s31+$0x8080]  }
0xf9: {  	v5 =	vmul.f32 v5, v5;
	v6 =	vadd.f32 v11, v6;
	v11 =	vld [tilespmem:s31+$0xC090]  }
0xfa: {  	v61 =	vld [tilespmem:s31+$0xC0A0];
	v1 =	vadd.f32 v2, v1  }
0xfb: {  	v5 =	vadd.f32 v5, v7;
	v7 =	vld [tilespmem:s31+$0x8090];
	v9 =	vadd.f32 v9, v12;
	vm0 =	vlt.f32 v6, $0.0e+00  }
0xfc: {  	v3 =	vadd.f32 v4, v3;
	v4 =	vld [tilespmem:s31+$0xC0B0];
	vm1 =	vgt.f32 v6, $0.0e+00;
	v2 =	vsel vm0, $0xBF800000, v10  }
0xfd: {  	vm4 =	vlt.f32 v1, $0.0e+00;
	vm15 =	vlt.f32 v9, $0.0e+00;
	v6 =	vld [tilespmem:s31+$0x80A0];
	v2 =	vsel vm1, $0x3F800000, v2  }
0xfe: {  	vm2 =	vgt.f32 v9, $0.0e+00;
	v2 =	vsub.f32 v8, v2;
	v8 =	vsel vm15, $0xBF800000, v11  }
0xff: {  	vm5 =	vgt.f32 v3, $0.0e+00;
	vm6 =	vlt.f32 v3, $0.0e+00;
	v9 =	vld [tilespmem:s31+$0x80B0];
	v8 =	vsel vm2, $0x3F800000, v8  }
0x100: {  	v2 =	vmul.f32 v2, v2;
	v3 =	vsub.f32 v7, v8;
	v7 =	vsel vm6, $0xBF800000, v61  }
0x101: {  	vm7 =	vgt.f32 v1, $0.0e+00;
	v1 =	vsel vm4, $0xBF800000, v4;
	v7 =	vsel vm5, $0x3F800000, v7  }
0x102: {  	v2 =	vadd.f32 v2, v5;
	v3 =	vmul.f32 v3, v3;
	v4 =	vsub.f32 v6, v7  }
0x103: {  	v1 =	vsel vm7, $0x3F800000, v1  }
0x104: {  	v1 =	vsub.f32 v9, v1;
	v2 =	vadd.f32 v3, v2;
	v3 =	vmul.f32 v4, v4;
	_ =	sdelay $0x1  }
0x105: {  	v1 =	vmul.f32 v1, v1;
	v2 =	vadd.f32 v3, v2;
	_ =	sdelay $0x1  }
0x106: {  	v1 =	vadd.f32 v1, v2;
	_ =	sdelay $0x1  }
0x107: {  	s0 =	simm.s32 $0x0;
	[tilespmem:$0x10080] =	vst v1  }
0x108: {  	[tilespmem:s0], [sflag:$0x5] =	stream.linear.gather [hbm4b:s14+s0], $0x80, $0x38;
	[tilespmem:$0x10100] =	vst v63  }
0x109: {  	_ =	swait.ge [sflag:s19], $0x80  }
0x10a: {  	[sflag:s19] =	ssyncset.done $0x0  }
0x10b: {  	[sflag:s19] =	ssyncadd.s32 $0xFFFFFF80  }
0x10c: {  	[tilespmem:s20], [sflag:$0x2] =	stream.linear.gather [hbm4b:s15+s0], $0x4000, $0x38;
	[tilespmem:$0x10100] =	vst v63  }
0x10d: {  	_ = 	snop  }
0x10e: {  	[tilespmem:s21], [sflag:$0x3] =	stream.linear.gather [hbm4b:s16+s0], $0x4000, $0x38;
	[tilespmem:$0x10100] =	vst v63  }
0x10f: {  	_ = 	snop  }
0x110: {  	[tilespmem:s22], [sflag:$0x1] =	stream.indirect.gather [hbm4b:s3+s22], $0x80, s0, s22, $0xb8;
	[tilespmem:$0x10100] =	vst v63  }
0x111: {  	_ = 	snop  }
0x112: {  	[tilespmem:s23], [sflag:$0x4] =	stream.indirect.gather [hbm4b:s4+s22], $0x80, s0, s22, $0xb8;
	[tilespmem:$0x10100] =	vst v63  }
0x113: {  	_ =	swait.ge [sflag:s24], $0x4000  }
0x114: {  	[sflag:s24] =	ssyncset.done $0x0  }
0x115: {  	[sflag:s24] =	ssyncadd.s32 $0xFFFFC000  }
0x116: {  	_ =	swait.ge [sflag:s25], $0x4000  }
0x117: {  	[sflag:s25] =	ssyncset.done $0x0  }
0x118: {  	[sflag:s25] =	ssyncadd.s32 $0xFFFFC000  }
0x119: {  	_ =	swait.ge [sflag:s26], $0x4000  }
0x11a: {  	[sflag:s26] =	ssyncset.done $0x0  }
0x11b: {  	[sflag:s26] =	ssyncadd.s32 $0xFFFFC000  }
0x11c: {  	_ =	swait.ge [sflag:s28], $0x4000  }
0x11d: {  	[sflag:s28] =	ssyncset.done $0x0  }
0x11e: {  	[sflag:s28] =	ssyncadd.s32 $0xFFFFC000  }
0x11f: {  	s0 =	simm.s32 $0x0;
	v6 =	vld [tilespmem:$0x10080]  }
0x120: {  	v1 =	vld [tilespmem:s0+$0xB0]  }
0x121: {  	v2 =	vld [tilespmem:s0+$0x40B0]  }
0x122: {  	v3 =	vld [tilespmem:s0+$0xA0]  }
0x123: {  	v5 =	vld [tilespmem:s0+$0x80]  }
0x124: {  	v7 =	vld [tilespmem:s0+$0x4080]  }
0x125: {  	v8 =	vld [tilespmem:s0+$0x90]  }
0x126: {  	v9 =	vld [tilespmem:s0+$0x4090]  }
0x127: {  	v4 =	vld [tilespmem:s0+$0x40A0]  }
0x128: {  	v10 =	vld [tilespmem:s0+$0xC080]  }
0x129: {  	v11 =	vld [tilespmem:s0+$0x8080]  }
0x12a: {  	v5 =	vadd.f32 v7, v5;
	v7 =	vld [tilespmem:s0+$0xC090]  }
0x12b: {  	v62 =	vld [tilespmem:s0+$0x8090];
	v8 =	vadd.f32 v9, v8  }
0x12c: {  	v9 =	vld [tilespmem:s0+$0xC0A0];
	v3 =	vadd.f32 v4, v3;
	vm8 =	vlt.f32 v5, $0.0e+00  }
0x12d: {  	vm9 =	vgt.f32 v5, $0.0e+00;
	vm10 =	vlt.f32 v8, $0.0e+00;
	v5 =	vsel vm8, $0xBF800000, v10;
	v10 =	vld [tilespmem:s0+$0xC0B0]  }
0x12e: {  	s31 =	simm.s32 $0x80;
	v13 =	vld [tilespmem:s0+$0x80A0];
	vm11 =	vgt.f32 v8, $0.0e+00;
	v8 =	vadd.f32 v2, v1;
	v4 =	vsel vm9, $0x3F800000, v5  }
0x12f: {  	v1 =	vld [tilespmem:s31+$0xB0];
	vm12 =	vlt.f32 v3, $0.0e+00;
	v4 =	vsub.f32 v11, v4;
	v7 =	vsel vm10, $0xBF800000, v7  }
0x130: {  	vm13 =	vgt.f32 v3, $0.0e+00;
	v5 =	vld [tilespmem:s0+$0x80B0];
	vm14 =	vlt.f32 v8, $0.0e+00;
	v7 =	vsel vm11, $0x3F800000, v7  }
0x131: {  	v2 =	vld [tilespmem:s31+$0x40B0];
	v11 =	vmul.f32 v4, v4;
	v4 =	vsel vm12, $0xBF800000, v9;
	v9 =	vsub.f32 v62, v7  }
0x132: {  	v3 =	vld [tilespmem:s31+$0xA0];
	vm15 =	vgt.f32 v8, $0.0e+00;
	v63 =	vsel vm13, $0x3F800000, v4;
	v10 =	vsel vm14, $0xBF800000, v10  }
0x133: {  	v4 =	vld [tilespmem:s31+$0x40A0];
	v7 =	vadd.f32 v11, v6;
	v8 =	vmul.f32 v9, v9;
	v9 =	vsub.f32 v13, v63  }
0x134: {  	s0 =	simm.s32 $0x400;
	v6 =	vld [tilespmem:s31+$0x80];
	v10 =	vsel vm15, $0x3F800000, v10  }
.LBB2_8:
0x135: {  	p0 =	sne.s32 s0, $0xFE00;
	v11 =	vld [tilespmem:s31+$0x4080];
	v7 =	vadd.f32 v8, v7;
	v8 =	vmul.f32 v9, v9;
	v5 =	vsub.f32 v5, v10  }
0x136: {  	v9 =	vld [tilespmem:s31+$0x90]  }
0x137: {  	v10 =	vld [tilespmem:s31+$0x4090];
	v7 =	vadd.f32 v8, v7;
	v5 =	vmul.f32 v5, v5  }
0x138: {  	v8 =	vld [tilespmem:s31+$0xC080]  }
0x139: {  	v12 =	vld [tilespmem:s31+$0x8080];
	v7 =	vadd.f32 v5, v7  }
0x13a: {  	v5 =	vadd.f32 v11, v6;
	v6 =	vld [tilespmem:s31+$0xC090]  }
0x13b: {  	v11 =	vld [tilespmem:s31+$0x8090]  }
0x13c: {  	v13 =	vadd.f32 v2, v1;
	vm0 =	vlt.f32 v5, $0.0e+00;
	v9 =	vadd.f32 v10, v9;
	v10 =	vld [tilespmem:s31+$0xC0A0]  }
0x13d: {  	v2 =	vadd.f32 v4, v3;
	vm1 =	vgt.f32 v5, $0.0e+00;
	v1 =	vsel vm0, $0xBF800000, v8;
	v4 =	vld [tilespmem:s31+$0xC0B0]  }
0x13e: {  	v1 =	vsel vm1, $0x3F800000, v1;
	vm0 =	vlt.f32 v9, $0.0e+00;
	v14 =	vld [tilespmem:s31+$0x80A0];
	vm1 =	vlt.f32 v13, $0.0e+00  }
0x13f: {  	vm2 =	vgt.f32 v9, $0.0e+00;
	v3 =	vsub.f32 v12, v1;
	v6 =	vsel vm0, $0xBF800000, v6;
	v5 =	vld [tilespmem:s31+$0x80B0];
	s31 =	sshra.s32 s0, $0x2  }
.Ltmp3:
0x140: {  	vm0 =	vgt.f32 v2, $0.0e+00;
	v1 =	vld [tilespmem:s31+$0xB0];
	v6 =	vsel vm2, $0x3F800000, v6;
	vm2 =	vlt.f32 v2, $0.0e+00;
	(pc) =	sbr.rel @p0 .LBB2_8-.Ltmp3, $4  }
0x141: {  	v2 =	vld [tilespmem:s31+$0x40B0];
	v8 =	vmul.f32 v3, v3;
	v6 =	vsub.f32 v11, v6;
	v9 =	vsel vm2, $0xBF800000, v10  }
0x142: {  	v3 =	vld [tilespmem:s31+$0xA0];
	v9 =	vsel vm0, $0x3F800000, v9;
	vm0 =	vgt.f32 v13, $0.0e+00;
	v10 =	vsel vm1, $0xBF800000, v4  }
0x143: {  	v4 =	vld [tilespmem:s31+$0x40A0];
	v7 =	vadd.f32 v8, v7;
	v8 =	vmul.f32 v6, v6;
	v9 =	vsub.f32 v14, v9  }
0x144: {  	s0 =	sadd.s32 $0x200, s0;
	v10 =	vsel vm0, $0x3F800000, v10;
	v6 =	vld [tilespmem:s31+$0x80]  }
0x145: {  	v11 =	vld [tilespmem:s31+$0x4080]  }
0x146: {  	v12 =	vld [tilespmem:s31+$0x90]  }
0x147: {  	v52 =	vld [tilespmem:s31+$0x4090]  }
0x148: {  	v53 =	vld [tilespmem:s31+$0xC080]  }
0x149: {  	v7 =	vadd.f32 v8, v7;
	v51 =	vmul.f32 v9, v9;
	v5 =	vsub.f32 v5, v10;
	v54 =	vld [tilespmem:s31+$0x8080]  }
0x14a: {  	v55 =	vld [tilespmem:s31+$0xC090];
	v6 =	vadd.f32 v11, v6  }
0x14b: {  	v56 =	vld [tilespmem:s31+$0x8090];
	v1 =	vadd.f32 v2, v1;
	v7 =	vadd.f32 v51, v7;
	v5 =	vmul.f32 v5, v5  }
0x14c: {  	v57 =	vld [tilespmem:s31+$0xC0A0];
	v3 =	vadd.f32 v4, v3;
	v9 =	vadd.f32 v52, v12;
	vm0 =	vlt.f32 v6, $0.0e+00  }
0x14d: {  	v58 =	vld [tilespmem:s31+$0xC0B0];
	vm12 =	vlt.f32 v1, $0.0e+00;
	vm1 =	vgt.f32 v6, $0.0e+00;
	v2 =	vsel vm0, $0xBF800000, v53  }
0x14e: {  	v59 =	vld [tilespmem:s31+$0x80A0];
	v5 =	vadd.f32 v5, v7;
	vm11 =	vlt.f32 v9, $0.0e+00;
	v2 =	vsel vm1, $0x3F800000, v2  }
0x14f: {  	vm2 =	vgt.f32 v9, $0.0e+00;
	v60 =	vsel vm11, $0xBF800000, v55;
	v2 =	vsub.f32 v54, v2  }
0x150: {  	v61 =	vld [tilespmem:s31+$0x80B0];
	vm13 =	vgt.f32 v3, $0.0e+00;
	vm14 =	vlt.f32 v3, $0.0e+00;
	v8 =	vsel vm2, $0x3F800000, v60  }
0x151: {  	v62 =	vsel vm14, $0xBF800000, v57;
	v3 =	vsub.f32 v56, v8;
	v2 =	vmul.f32 v2, v2  }
0x152: {  	vm15 =	vgt.f32 v1, $0.0e+00;
	v1 =	vsel vm12, $0xBF800000, v58;
	v7 =	vsel vm13, $0x3F800000, v62  }
0x153: {  	v63 =	vsub.f32 v59, v7;
	v3 =	vmul.f32 v3, v3;
	v2 =	vadd.f32 v2, v5  }
0x154: {  	v1 =	vsel vm15, $0x3F800000, v1  }
0x155: {  	v1 =	vsub.f32 v61, v1;
	v2 =	vadd.f32 v3, v2;
	v3 =	vmul.f32 v63, v63;
	_ =	sdelay $0x1  }
0x156: {  	v1 =	vmul.f32 v1, v1;
	v2 =	vadd.f32 v3, v2;
	_ =	sdelay $0x1  }
0x157: {  	s30 =	sadd.s32 $0x1, s30;
	v1 =	vadd.f32 v1, v2  }
0x158: {  	p0 =	sne.s32 s30, s18  }
.Ltmp4:
0x159: {  	[tilespmem:$0x10080] =	vst v1;
	(pc) =	sbr.rel @p0 .LBB2_1-.Ltmp4, $4  }
0x15a: {  	[hbm4b:s17+s1] =	stream.linear.scatter [tilespmem:s29], [sflag:$0x5], $0x80, $0x38;
	[tilespmem:$0x10100] =	vst v63  }
0x15b: {  	_ =	swait.ge [sflag:s19], $0x80  }
0x15c: {  	[sflag:s19] =	ssyncset.done $0x0  }
0x15d: {  	[sflag:s19] =	ssyncadd.s32 $0xFFFFFF80  }
0x15e: {  	_ =	sfence.sel $0x180000  }
0x15f: {  	[bflag:$0x0] =	sbarrier.arrive $0xFFFF  }
0x160: {  	_ =	strace $0x9000004A  }
0x161: {  	[bflag:$0x2] =	sbarrier.arrive $0xFFFF  }
0x162: {  	p0 =	sne.s32 s2, $0x0;
	s0 =	rddreg [dreg:$0x1]  }
0x163: {  	s0 =	sadd.s32 @!p0 $0x100000, s0  }
0x164: {  	[sflag:s0] =	ssyncadd.tile.s32 @!p0 $0x1;
	_ =	shalt  }
.Lfunc_end2:
_tile_overlayer_lowered:
.L_overlay_start_2:
0x165: {  	(tag) =	ssettag $0x2  }
0x166: {  	s0 =	rddreg [dreg:$0x0];
	s2 =	stileid.u32  }
0x167: {  	s1 =	rddreg [dreg:$0x1];
	p0 =	sne.s32 s2, $0x0  }
0x168: {  	s3 =	rddreg [dreg:$0x2];
	[bflag:$0x3] =	sbarrier.arrive $0xFFFF;
	s2 =	simm.s32 @!p0 $0x1C05  }
0x169: {  	[timem:s3], [sflag:s2] =	dma.local @!p0 [hbm:s0], s1  }
0x16a: {  	s0 =	simm.s32 @!p0 $0x5  }
0x16b: {  	_ =	swait.ge @!p0 [sflag:s0], s1  }
0x16c: {  	s1 =	ssub.s32 @!p0 $0x0, s1;
	[sflag:s0] =	ssyncset.done @!p0 $0x0  }
0x16d: {  	[sflag:s0] =	ssyncadd.s32 @!p0 s1  }
0x16e: {  	[bflag:$0x3] =	sbarrier.arrive $0xFFFF  }
0x16f: {  	_ =	shalt  }

</sc_bundles>
